<compile_context>
chip_gen: v7x
topology: tpu7x:2x2x1
jax: 0.10.2.dev20260603
libtpu: 0.0.44.dev20260713+nightly
codegen_flags: <defaults>
</compile_context>

<pallas_src>
import jax
import jax.numpy as jnp
from jax import lax
from jax.experimental import pallas as pl
from jax.experimental.pallas import tpu as pltpu
from jax.experimental.pallas import tpu_sc as plsc

N = 10000
E = 320000
D = 128

NC = 2
NS = 16
EPC = E // NC
EPW = EPC // NS
G = 80
NB = EPW // G
NZB = N // G


def _sc_segment_sum(ei_flat, x):
    mesh = plsc.VectorSubcoreMesh(core_axis_name="c", subcore_axis_name="s")

    def body(ei_hbm, x_hbm, out_hbm,
             acc, rows0, rows1, rows2, sidx, didx, sem0, sem1, sem2):
        c = lax.axis_index("c")
        s = lax.axis_index("s")

        base = (c * NS + s) * EPW
        pltpu.async_copy(ei_hbm.at[pl.ds(base, EPW)], sidx, sem0)
        pltpu.async_copy(ei_hbm.at[pl.ds(E + base, EPW)], didx, sem0)

        zvec = jnp.zeros((16,), jnp.float32)

        @pl.loop(0, G)
        def _(i):
            @pl.loop(0, D // 16)
            def _(j):
                rows0[i, pl.ds(j * 16, 16)] = zvec

        @pl.loop(s, NZB, step=NS)
        def _(k):
            pltpu.async_copy(rows0, acc.at[pl.ds(k * G, G)], sem1)

        @pl.loop(s, NZB, step=NS)
        def _(k):
            pltpu.make_async_copy(rows0, acc.at[pl.ds(k * G, G)], sem1).wait()

        pltpu.make_async_copy(ei_hbm.at[pl.ds(base, EPW)], sidx, sem0).wait()
        pltpu.make_async_copy(ei_hbm.at[pl.ds(E + base, EPW)],
                              didx, sem0).wait()

        plsc.subcore_barrier()

        def start_gather(b, rows, sem):
            pltpu.async_copy(x_hbm.at[sidx.at[pl.ds(b * G, G)]], rows, sem)

        def wait_gather(b, rows, sem):
            pltpu.make_async_copy(x_hbm.at[sidx.at[pl.ds(b * G, G)]],
                                  rows, sem).wait()

        def scatter_add(b, rows):
            pltpu.sync_copy(rows, acc.at[didx.at[pl.ds(b * G, G)]], add=True)

        start_gather(0, rows0, sem0)
        start_gather(1, rows1, sem1)

        @pl.loop(0, (NB - 2) // 3)
        def _(t):
            b = 3 * t
            wait_gather(b, rows0, sem0)
            start_gather(b + 2, rows2, sem2)
            scatter_add(b, rows0)
            wait_gather(b + 1, rows1, sem1)
            start_gather(b + 3, rows0, sem0)
            scatter_add(b + 1, rows1)
            wait_gather(b + 2, rows2, sem2)
            start_gather(b + 4, rows1, sem1)
            scatter_add(b + 2, rows2)

        wait_gather(NB - 2, rows0, sem0)
        scatter_add(NB - 2, rows0)
        wait_gather(NB - 1, rows1, sem1)
        scatter_add(NB - 1, rows1)

        plsc.subcore_barrier()

        @pl.loop(s, NZB, step=NS)
        def _(k):
            pltpu.async_copy(acc.at[pl.ds(k * G, G)],
                             out_hbm.at[c].at[pl.ds(k * G, G)], sem0)

        @pl.loop(s, NZB, step=NS)
        def _(k):
            pltpu.make_async_copy(acc.at[pl.ds(k * G, G)],
                                  out_hbm.at[c].at[pl.ds(k * G, G)],
                                  sem0).wait()

    kern = pl.kernel(
        body,
        out_type=jax.ShapeDtypeStruct((NC, N, D), jnp.float32),
        mesh=mesh,
        scratch_types=[
            pltpu.VMEM_SHARED((N, D), jnp.float32),
            pltpu.VMEM((G, D), jnp.float32),
            pltpu.VMEM((G, D), jnp.float32),
            pltpu.VMEM((G, D), jnp.float32),
            pltpu.VMEM((EPW,), jnp.int32),
            pltpu.VMEM((EPW,), jnp.int32),
            pltpu.SemaphoreType.DMA,
            pltpu.SemaphoreType.DMA,
            pltpu.SemaphoreType.DMA,
        ],
    )
    return kern(ei_flat, x)


def _tc_finish(partials, x, w, gamma, beta):
    B = 2000

    def body(p_ref, x_ref, w_ref, g_ref, b_ref, o_ref):
        u = p_ref[0] + p_ref[1]
        h = lax.dot_general(u, w_ref[...], (((1,), (1,)), ((), ())),
                            preferred_element_type=jnp.float32)
        h = jnp.maximum(h, 0.0) + x_ref[...]
        mean = jnp.mean(h, axis=1, keepdims=True)
        cent = h - mean
        var = jnp.mean(cent * cent, axis=1, keepdims=True)
        o_ref[...] = cent * lax.rsqrt(var + 1e-5) * g_ref[...] + b_ref[...]

    return pl.pallas_call(
        body,
        grid=(N // B,),
        in_specs=[
            pl.BlockSpec((NC, B, D), lambda i: (0, i, 0)),
            pl.BlockSpec((B, D), lambda i: (i, 0)),
            pl.BlockSpec((D, D), lambda i: (0, 0)),
            pl.BlockSpec((1, D), lambda i: (0, 0)),
            pl.BlockSpec((1, D), lambda i: (0, 0)),
        ],
        out_specs=pl.BlockSpec((B, D), lambda i: (i, 0)),
        out_shape=jax.ShapeDtypeStruct((N, D), jnp.float32),
    )(partials, x, w, gamma, beta)


@jax.jit
def kernel(x, edge_index, W, gamma, beta):
    ei_flat = edge_index.astype(jnp.int32).reshape(2 * E)
    partials = _sc_segment_sum(ei_flat, x)
    return _tc_finish(
        partials,
        x,
        W,
        gamma.reshape(1, D),
        beta.reshape(1, D),
    )

# --- scband reference (transcript-rebuilt; emitter-appended) ---
"""Pipeline reference for scband-graph-convolution-38774964748853 (READ-ONLY COPY).

The authoritative reference and input builder live on the scoring server;
editing this copy changes nothing except your own understanding.
"""

import jax, jax.numpy as jnp
import numpy as np

N = 10000
E = 320000
D = 128

def setup_inputs(seed: int = 0) -> dict:
    key = jax.random.key(seed)
    k1, k2, k3 = jax.random.split(key, 3)
    x = jax.random.normal(k1, (N, D), dtype=jnp.float32)
    edge_index = jax.random.randint(k2, (2, E), 0, N, dtype=jnp.int64)
    # Linear(hidden_dim, hidden_dim, bias=False) weight, torch layout [out, in]
    W = jax.random.normal(k3, (D, D), dtype=jnp.float32) * (1.0 / np.sqrt(D))
    # LayerNorm params
    gamma = jnp.ones((D,), dtype=jnp.float32)
    beta = jnp.zeros((D,), dtype=jnp.float32)
    return {"x": x, "edge_index": edge_index, "W": W, "gamma": gamma, "beta": beta}

def _layer_norm(h, gamma, beta, eps=1e-5):
    mean = jnp.mean(h, axis=-1, keepdims=True)
    var = jnp.mean((h - mean) ** 2, axis=-1, keepdims=True)
    return (h - mean) / jnp.sqrt(var + eps) * gamma + beta

def reference(x, edge_index, W, gamma, beta):
    h0 = x
    src = edge_index[0]
    dst = edge_index[1]
    # graph.update_all(copy_u('h','m'), sum('m','u_')): gather src feats, scatter-add to dst
    messages = jnp.take(x, src, axis=0)
    u = jax.ops.segment_sum(messages, dst, num_segments=N)
    # activation(linear(u_)) + h0
    h = jax.nn.relu(u @ W.T) + h0
    # LayerNorm
    h = _layer_norm(h, gamma, beta)
    # Dropout is identity in eval mode
    return h

if __name__ == "__main__":
    import jax
    _d = setup_inputs()
    print(jax.jit(kernel)(*tuple(_d.values())))

</pallas_src>

<mosaic_0001>
#map = affine_map<(d0, d1) -> (0)>
#map1 = affine_map<(d0, d1) -> (0, 0)>
#map2 = affine_map<(d0, d1) -> (0, 0, 0)>
module attributes {stable_mosaic.version = 14 : i64} {
  func.func @body(%arg0: i32, %arg1: i32, %arg2: memref<640000xi32, #tpu.memory_space<hbm>>, %arg3: memref<10000x128xf32, #tpu.memory_space<hbm>>, %arg4: memref<2x10000x128xf32, #tpu.memory_space<hbm>>, %arg5: memref<10000x128xf32, #tpu.memory_space<vmem_shared>>, %arg6: memref<80x128xf32, #tpu.memory_space<vmem>>, %arg7: memref<80x128xf32, #tpu.memory_space<vmem>>, %arg8: memref<80x128xf32, #tpu.memory_space<vmem>>, %arg9: memref<10000xi32, #tpu.memory_space<vmem>>, %arg10: memref<10000xi32, #tpu.memory_space<vmem>>, %arg11: memref<!tpu.dma_semaphore, #tpu.memory_space<semaphore_mem>>, %arg12: memref<!tpu.dma_semaphore, #tpu.memory_space<semaphore_mem>>, %arg13: memref<!tpu.dma_semaphore, #tpu.memory_space<semaphore_mem>>) attributes {dimension_semantics = [#tpu.dimension_semantics<core_parallel>, #tpu.dimension_semantics<subcore_parallel>], iteration_bounds = array<i64: 2, 16>, scalar_prefetch = 0 : i64, scratch_operands = 9 : i64, tpu.core_type = #tpu.core_type<sc_vector_subcore>, window_params = [{transform_indices = #map}, {transform_indices = #map1}, {transform_indices = #map2}]} {
    %mul3A = arith.constant 16 : i32
    %mul3A_0 = arith.muli %arg0, %mul3A : i32
    %add3A = arith.addi %mul3A_0, %arg1 : i32
    %mul3A_1 = arith.constant 10000 : i32
    %mul3A_2 = arith.muli %add3A, %mul3A_1 : i32
    %dma_start3A = tpu.memref_slice %arg2[%mul3A_2] : memref<640000xi32, #tpu.memory_space<hbm>> -> memref<10000xi32, #tpu.memory_space<hbm>>
    %dma_start3A_3 = tpu.memref_slice %arg2[%mul3A_2] : memref<640000xi32, #tpu.memory_space<hbm>> -> memref<10000xi32, #tpu.memory_space<hbm>>
    tpu.enqueue_dma source(%dma_start3A_3 : memref<10000xi32, #tpu.memory_space<hbm>>) target(%arg9 : memref<10000xi32, #tpu.memory_space<vmem>>) target_semaphore(%arg11 : memref<!tpu.dma_semaphore, #tpu.memory_space<semaphore_mem>>)
    %add3A_4 = arith.constant 320000 : i32
    %add3A_5 = arith.addi %add3A_4, %mul3A_2 : i32
    %dma_start3A_6 = tpu.memref_slice %arg2[%add3A_5] : memref<640000xi32, #tpu.memory_space<hbm>> -> memref<10000xi32, #tpu.memory_space<hbm>>
    %dma_start3A_7 = tpu.memref_slice %arg2[%add3A_5] : memref<640000xi32, #tpu.memory_space<hbm>> -> memref<10000xi32, #tpu.memory_space<hbm>>
    tpu.enqueue_dma source(%dma_start3A_7 : memref<10000xi32, #tpu.memory_space<hbm>>) target(%arg10 : memref<10000xi32, #tpu.memory_space<vmem>>) target_semaphore(%arg11 : memref<!tpu.dma_semaphore, #tpu.memory_space<semaphore_mem>>)
    %broadcast_in_dim3A = arith.constant 0.000000e+00 : f32
    %broadcast_in_dim3A_8 = vector.broadcast %broadcast_in_dim3A : f32 to vector<16xf32>
    %scan3A = arith.constant 0 : i32
    %scan3A_9 = arith.constant 80 : i32
    %scan3A_10 = arith.addi %scan3A, %scan3A_9 : i32
    %scan3A_11 = arith.constant 1 : i32
    scf.for %scan3A_113 = %scan3A to %scan3A_10 step %scan3A_11  : i32 {
      %mul3A_114 = arith.constant 1 : i32
      %mul3A_115 = arith.muli %scan3A_113, %mul3A_114 : i32
      %add3A_116 = arith.constant 0 : i32
      %add3A_117 = arith.addi %add3A_116, %mul3A_115 : i32
      %scan3A_118 = arith.constant 0 : i32
      %scan3A_119 = arith.constant 8 : i32
      %scan3A_120 = arith.addi %scan3A_118, %scan3A_119 : i32
      %scan3A_121 = arith.constant 1 : i32
      scf.for %scan3A_123 = %scan3A_118 to %scan3A_120 step %scan3A_121  : i32 {
        %mul3A_124 = arith.constant 1 : i32
        %mul3A_125 = arith.muli %scan3A_123, %mul3A_124 : i32
        %add3A_126 = arith.constant 0 : i32
        %add3A_127 = arith.addi %add3A_126, %mul3A_125 : i32
        %mul3A_128 = arith.constant 16 : i32
        %mul3A_129 = arith.muli %add3A_127, %mul3A_128 : i32
        %swap3A = arith.index_cast %add3A_117 : i32 to index
        %swap3A_130 = arith.index_cast %mul3A_129 : i32 to index
        %swap3A_131 = tpu.vector_load %arg6[%swap3A, %swap3A_130] {strides = array<i32>} : memref<80x128xf32, #tpu.memory_space<vmem>>, vector<1x16xf32>,
        %swap3A_132 = vector.shape_cast %swap3A_131 : vector<1x16xf32> to vector<16xf32>
        %swap3A_133 = vector.shape_cast %broadcast_in_dim3A_8 : vector<16xf32> to vector<1x16xf32>
        tpu.vector_store %arg6[%swap3A, %swap3A_130], %swap3A_133 {strides = array<i32>} : memref<80x128xf32, #tpu.memory_space<vmem>>, vector<1x16xf32>,
      }
      %scan3A_122 = arith.constant 8 : i32
    }
    %scan3A_12 = arith.constant 80 : i32
    %sub3A = arith.constant 125 : i32
    %sub3A_13 = arith.subi %sub3A, %arg1 : i32
    %sub3A_14 = arith.constant 16 : i32
    %sub3A_15 = arith.constant 1 : i32
    %sub3A_16 = arith.subi %sub3A_14, %sub3A_15 : i32
    %add3A_17 = arith.addi %sub3A_13, %sub3A_16 : i32
    %div3A = arith.constant 16 : i32
    %div3A_18 = arith.divsi %add3A_17, %div3A : i32
    %while3A = arith.constant 16 : i32
    %while3A_19 = arith.constant 0 : i32
    %while3A_20 = arith.subi %div3A_18, %while3A_19 : i32
    %while3A_21 = arith.addi %while3A_19, %while3A_20 : i32
    %while3A_22 = arith.constant 1 : i32
    %while3A_23 = arith.divsi %while3A_20, %while3A_22 : i32
    %while3A_24 = arith.muli %while3A_23, %while3A_22 : i32
    %while3A_25 = arith.addi %while3A_19, %while3A_24 : i32
    %while3A_26 = arith.constant 1 : i32
    scf.for %while3A_113 = %while3A_19 to %while3A_25 step %while3A_26  : i32 {
      %mul3A_114 = arith.muli %while3A_113, %while3A : i32
      %add3A_115 = arith.addi %arg1, %mul3A_114 : i32
      %mul3A_116 = arith.constant 80 : i32
      %mul3A_117 = arith.muli %add3A_115, %mul3A_116 : i32
      %dma_start3A_118 = arith.constant 0 : i32
      %dma_start3A_119 = tpu.memref_slice %arg5[%mul3A_117, %dma_start3A_118] : memref<10000x128xf32, #tpu.memory_space<vmem_shared>> -> memref<80x128xf32, #tpu.memory_space<vmem_shared>>
      %dma_start3A_120 = arith.constant 0 : i32
      %dma_start3A_121 = tpu.memref_slice %arg5[%mul3A_117, %dma_start3A_120] : memref<10000x128xf32, #tpu.memory_space<vmem_shared>> -> memref<80x128xf32, #tpu.memory_space<vmem_shared>>
      tpu.enqueue_dma source(%arg6 : memref<80x128xf32, #tpu.memory_space<vmem>>) target(%dma_start3A_121 : memref<80x128xf32, #tpu.memory_space<vmem_shared>>) target_semaphore(%arg12 : memref<!tpu.dma_semaphore, #tpu.memory_space<semaphore_mem>>)
    }
    %while3A_27 = arith.constant 1 : i32
    scf.for %while3A_113 = %while3A_25 to %while3A_21 step %while3A_27  : i32 {
      %mul3A_114 = arith.muli %while3A_113, %while3A : i32
      %add3A_115 = arith.addi %arg1, %mul3A_114 : i32
      %mul3A_116 = arith.constant 80 : i32
      %mul3A_117 = arith.muli %add3A_115, %mul3A_116 : i32
      %dma_start3A_118 = arith.constant 0 : i32
      %dma_start3A_119 = tpu.memref_slice %arg5[%mul3A_117, %dma_start3A_118] : memref<10000x128xf32, #tpu.memory_space<vmem_shared>> -> memref<80x128xf32, #tpu.memory_space<vmem_shared>>
      %dma_start3A_120 = arith.constant 0 : i32
      %dma_start3A_121 = tpu.memref_slice %arg5[%mul3A_117, %dma_start3A_120] : memref<10000x128xf32, #tpu.memory_space<vmem_shared>> -> memref<80x128xf32, #tpu.memory_space<vmem_shared>>
      tpu.enqueue_dma source(%arg6 : memref<80x128xf32, #tpu.memory_space<vmem>>) target(%dma_start3A_121 : memref<80x128xf32, #tpu.memory_space<vmem_shared>>) target_semaphore(%arg12 : memref<!tpu.dma_semaphore, #tpu.memory_space<semaphore_mem>>)
    }
    %sub3A_28 = arith.constant 125 : i32
    %sub3A_29 = arith.subi %sub3A_28, %arg1 : i32
    %sub3A_30 = arith.constant 16 : i32
    %sub3A_31 = arith.constant 1 : i32
    %sub3A_32 = arith.subi %sub3A_30, %sub3A_31 : i32
    %add3A_33 = arith.addi %sub3A_29, %sub3A_32 : i32
    %div3A_34 = arith.constant 16 : i32
    %div3A_35 = arith.divsi %add3A_33, %div3A_34 : i32
    %while3A_36 = arith.constant 16 : i32
    %while3A_37 = arith.constant 0 : i32
    %while3A_38 = arith.subi %div3A_35, %while3A_37 : i32
    %while3A_39 = arith.addi %while3A_37, %while3A_38 : i32
    %while3A_40 = arith.constant 1 : i32
    %while3A_41 = arith.divsi %while3A_38, %while3A_40 : i32
    %while3A_42 = arith.muli %while3A_41, %while3A_40 : i32
    %while3A_43 = arith.addi %while3A_37, %while3A_42 : i32
    %while3A_44 = arith.constant 1 : i32
    scf.for %while3A_113 = %while3A_37 to %while3A_43 step %while3A_44  : i32 {
      %mul3A_114 = arith.muli %while3A_113, %while3A_36 : i32
      %add3A_115 = arith.addi %arg1, %mul3A_114 : i32
      %mul3A_116 = arith.constant 80 : i32
      %mul3A_117 = arith.muli %add3A_115, %mul3A_116 : i32
      %dma_wait3A_118 = arith.constant 0 : i32
      %dma_wait3A_119 = tpu.memref_slice %arg5[%mul3A_117, %dma_wait3A_118] : memref<10000x128xf32, #tpu.memory_space<vmem_shared>> -> memref<80x128xf32, #tpu.memory_space<vmem_shared>>
      %dma_wait3A_120 = arith.constant 0 : i32
      %dma_wait3A_121 = tpu.memref_slice %arg5[%mul3A_117, %dma_wait3A_120] : memref<10000x128xf32, #tpu.memory_space<vmem_shared>> -> memref<80x128xf32, #tpu.memory_space<vmem_shared>>
      tpu.wait_dma2 semaphore(%arg12 : memref<!tpu.dma_semaphore, #tpu.memory_space<semaphore_mem>>) src(%arg6 : memref<80x128xf32, #tpu.memory_space<vmem>>) dst(%dma_wait3A_121 : memref<80x128xf32, #tpu.memory_space<vmem_shared>>)
    }
    %while3A_45 = arith.constant 1 : i32
    scf.for %while3A_113 = %while3A_43 to %while3A_39 step %while3A_45  : i32 {
      %mul3A_114 = arith.muli %while3A_113, %while3A_36 : i32
      %add3A_115 = arith.addi %arg1, %mul3A_114 : i32
      %mul3A_116 = arith.constant 80 : i32
      %mul3A_117 = arith.muli %add3A_115, %mul3A_116 : i32
      %dma_wait3A_118 = arith.constant 0 : i32
      %dma_wait3A_119 = tpu.memref_slice %arg5[%mul3A_117, %dma_wait3A_118] : memref<10000x128xf32, #tpu.memory_space<vmem_shared>> -> memref<80x128xf32, #tpu.memory_space<vmem_shared>>
      %dma_wait3A_120 = arith.constant 0 : i32
      %dma_wait3A_121 = tpu.memref_slice %arg5[%mul3A_117, %dma_wait3A_120] : memref<10000x128xf32, #tpu.memory_space<vmem_shared>> -> memref<80x128xf32, #tpu.memory_space<vmem_shared>>
      tpu.wait_dma2 semaphore(%arg12 : memref<!tpu.dma_semaphore, #tpu.memory_space<semaphore_mem>>) src(%arg6 : memref<80x128xf32, #tpu.memory_space<vmem>>) dst(%dma_wait3A_121 : memref<80x128xf32, #tpu.memory_space<vmem_shared>>)
    }
    %dma_wait3A = tpu.memref_slice %arg2[%mul3A_2] : memref<640000xi32, #tpu.memory_space<hbm>> -> memref<10000xi32, #tpu.memory_space<hbm>>
    %dma_wait3A_46 = tpu.memref_slice %arg2[%mul3A_2] : memref<640000xi32, #tpu.memory_space<hbm>> -> memref<10000xi32, #tpu.memory_space<hbm>>
    tpu.wait_dma2 semaphore(%arg11 : memref<!tpu.dma_semaphore, #tpu.memory_space<semaphore_mem>>) src(%dma_wait3A_46 : memref<10000xi32, #tpu.memory_space<hbm>>) dst(%arg9 : memref<10000xi32, #tpu.memory_space<vmem>>)
    %add3A_47 = arith.constant 320000 : i32
    %add3A_48 = arith.addi %add3A_47, %mul3A_2 : i32
    %dma_wait3A_49 = tpu.memref_slice %arg2[%add3A_48] : memref<640000xi32, #tpu.memory_space<hbm>> -> memref<10000xi32, #tpu.memory_space<hbm>>
    %dma_wait3A_50 = tpu.memref_slice %arg2[%add3A_48] : memref<640000xi32, #tpu.memory_space<hbm>> -> memref<10000xi32, #tpu.memory_space<hbm>>
    tpu.wait_dma2 semaphore(%arg11 : memref<!tpu.dma_semaphore, #tpu.memory_space<semaphore_mem>>) src(%dma_wait3A_50 : memref<10000xi32, #tpu.memory_space<hbm>>) dst(%arg10 : memref<10000xi32, #tpu.memory_space<vmem>>)
    %barrier3A = arith.constant 0 : index
    tpu.barrier barrier_id(%barrier3A)
    %dma_start3A_51 = arith.constant 0 : i32
    %dma_start3A_52 = tpu.memref_slice %arg9[%dma_start3A_51] : memref<10000xi32, #tpu.memory_space<vmem>> -> memref<80xi32, #tpu.memory_space<vmem>>
    %dma_start3A_53 = arith.constant 0 : i32
    %dma_start3A_54 = arith.constant 0 : i32
    %dma_start3A_55 = tpu.memref_slice %arg3[%dma_start3A_53, %dma_start3A_54] : memref<10000x128xf32, #tpu.memory_space<hbm>> -> memref<10000x128xf32, #tpu.memory_space<hbm>>
    tpu.enqueue_indirect_dma source(%dma_start3A_55 : memref<10000x128xf32, #tpu.memory_space<hbm>>) target(%arg6 : memref<80x128xf32, #tpu.memory_space<vmem>>) offsets(%dma_start3A_52 : memref<80xi32, #tpu.memory_space<vmem>>) semaphore(%arg11 : memref<!tpu.dma_semaphore, #tpu.memory_space<semaphore_mem>>)
    %dma_start3A_56 = arith.constant 80 : i32
    %dma_start3A_57 = tpu.memref_slice %arg9[%dma_start3A_56] : memref<10000xi32, #tpu.memory_space<vmem>> -> memref<80xi32, #tpu.memory_space<vmem>>
    %dma_start3A_58 = arith.constant 0 : i32
    %dma_start3A_59 = arith.constant 0 : i32
    %dma_start3A_60 = tpu.memref_slice %arg3[%dma_start3A_58, %dma_start3A_59] : memref<10000x128xf32, #tpu.memory_space<hbm>> -> memref<10000x128xf32, #tpu.memory_space<hbm>>
    tpu.enqueue_indirect_dma source(%dma_start3A_60 : memref<10000x128xf32, #tpu.memory_space<hbm>>) target(%arg7 : memref<80x128xf32, #tpu.memory_space<vmem>>) offsets(%dma_start3A_57 : memref<80xi32, #tpu.memory_space<vmem>>) semaphore(%arg12 : memref<!tpu.dma_semaphore, #tpu.memory_space<semaphore_mem>>)
    %scan3A_61 = arith.constant 0 : i32
    %scan3A_62 = arith.constant 41 : i32
    %scan3A_63 = arith.addi %scan3A_61, %scan3A_62 : i32
    %scan3A_64 = arith.constant 1 : i32
    scf.for %scan3A_113 = %scan3A_61 to %scan3A_63 step %scan3A_64  : i32 {
      %mul3A_114 = arith.constant 1 : i32
      %mul3A_115 = arith.muli %scan3A_113, %mul3A_114 : i32
      %add3A_116 = arith.constant 0 : i32
      %add3A_117 = arith.addi %add3A_116, %mul3A_115 : i32
      %mul3A_118 = arith.constant 3 : i32
      %mul3A_119 = arith.muli %mul3A_118, %add3A_117 : i32
      %mul3A_120 = arith.constant 80 : i32
      %mul3A_121 = arith.muli %mul3A_119, %mul3A_120 : i32
      %dma_wait3A_122 = tpu.memref_slice %arg9[%mul3A_121] : memref<10000xi32, #tpu.memory_space<vmem>> -> memref<80xi32, #tpu.memory_space<vmem>>
      %dma_wait3A_123 = arith.constant 0 : i32
      %dma_wait3A_124 = arith.constant 0 : i32
      %dma_wait3A_125 = tpu.memref_slice %arg3[%dma_wait3A_123, %dma_wait3A_124] : memref<10000x128xf32, #tpu.memory_space<hbm>> -> memref<10000x128xf32, #tpu.memory_space<hbm>>
      tpu.wait_indirect_dma semaphore(%arg11 : memref<!tpu.dma_semaphore, #tpu.memory_space<semaphore_mem>>) src(%dma_wait3A_125 : memref<10000x128xf32, #tpu.memory_space<hbm>>) dst(%arg6 : memref<80x128xf32, #tpu.memory_space<vmem>>)
      %add3A_126 = arith.constant 2 : i32
      %add3A_127 = arith.addi %mul3A_119, %add3A_126 : i32
      %mul3A_128 = arith.constant 80 : i32
      %mul3A_129 = arith.muli %add3A_127, %mul3A_128 : i32
      %dma_start3A_130 = tpu.memref_slice %arg9[%mul3A_129] : memref<10000xi32, #tpu.memory_space<vmem>> -> memref<80xi32, #tpu.memory_space<vmem>>
      %dma_start3A_131 = arith.constant 0 : i32
      %dma_start3A_132 = arith.constant 0 : i32
      %dma_start3A_133 = tpu.memref_slice %arg3[%dma_start3A_131, %dma_start3A_132] : memref<10000x128xf32, #tpu.memory_space<hbm>> -> memref<10000x128xf32, #tpu.memory_space<hbm>>
      tpu.enqueue_indirect_dma source(%dma_start3A_133 : memref<10000x128xf32, #tpu.memory_space<hbm>>) target(%arg8 : memref<80x128xf32, #tpu.memory_space<vmem>>) offsets(%dma_start3A_130 : memref<80xi32, #tpu.memory_space<vmem>>) semaphore(%arg13 : memref<!tpu.dma_semaphore, #tpu.memory_space<semaphore_mem>>)
      %mul3A_134 = arith.constant 80 : i32
      %mul3A_135 = arith.muli %mul3A_119, %mul3A_134 : i32
      "tpu.region"() ({
        %run_scoped3A = tpu.sem_alloc : memref<!tpu.dma_semaphore, #tpu.memory_space<semaphore_mem>>
        %dma_start3A_176 = tpu.memref_slice %arg10[%mul3A_135] : memref<10000xi32, #tpu.memory_space<vmem>> -> memref<80xi32, #tpu.memory_space<vmem>>
        %dma_start3A_177 = arith.constant 0 : i32
        %dma_start3A_178 = arith.constant 0 : i32
        %dma_start3A_179 = tpu.memref_slice %arg5[%dma_start3A_177, %dma_start3A_178] : memref<10000x128xf32, #tpu.memory_space<vmem_shared>> -> memref<10000x128xf32, #tpu.memory_space<vmem_shared>>
        tpu.enqueue_indirect_dma source(%arg6 : memref<80x128xf32, #tpu.memory_space<vmem>>) target(%dma_start3A_179 : memref<10000x128xf32, #tpu.memory_space<vmem_shared>>) offsets(%dma_start3A_176 : memref<80xi32, #tpu.memory_space<vmem>>) semaphore(%run_scoped3A : memref<!tpu.dma_semaphore, #tpu.memory_space<semaphore_mem>>) {add = true}
        %dma_wait3A_180 = tpu.memref_slice %arg10[%mul3A_135] : memref<10000xi32, #tpu.memory_space<vmem>> -> memref<80xi32, #tpu.memory_space<vmem>>
        %dma_wait3A_181 = arith.constant 0 : i32
        %dma_wait3A_182 = arith.constant 0 : i32
        %dma_wait3A_183 = tpu.memref_slice %arg5[%dma_wait3A_181, %dma_wait3A_182] : memref<10000x128xf32, #tpu.memory_space<vmem_shared>> -> memref<10000x128xf32, #tpu.memory_space<vmem_shared>>
        tpu.wait_indirect_dma semaphore(%run_scoped3A : memref<!tpu.dma_semaphore, #tpu.memory_space<semaphore_mem>>) src(%arg6 : memref<80x128xf32, #tpu.memory_space<vmem>>) dst(%dma_wait3A_183 : memref<10000x128xf32, #tpu.memory_space<vmem_shared>>)
        tpu.yield
      }) : () -> ()
      %add3A_136 = arith.constant 1 : i32
      %add3A_137 = arith.addi %mul3A_119, %add3A_136 : i32
      %mul3A_138 = arith.constant 80 : i32
      %mul3A_139 = arith.muli %add3A_137, %mul3A_138 : i32
      %dma_wait3A_140 = tpu.memref_slice %arg9[%mul3A_139] : memref<10000xi32, #tpu.memory_space<vmem>> -> memref<80xi32, #tpu.memory_space<vmem>>
      %dma_wait3A_141 = arith.constant 0 : i32
      %dma_wait3A_142 = arith.constant 0 : i32
      %dma_wait3A_143 = tpu.memref_slice %arg3[%dma_wait3A_141, %dma_wait3A_142] : memref<10000x128xf32, #tpu.memory_space<hbm>> -> memref<10000x128xf32, #tpu.memory_space<hbm>>
      tpu.wait_indirect_dma semaphore(%arg12 : memref<!tpu.dma_semaphore, #tpu.memory_space<semaphore_mem>>) src(%dma_wait3A_143 : memref<10000x128xf32, #tpu.memory_space<hbm>>) dst(%arg7 : memref<80x128xf32, #tpu.memory_space<vmem>>)
      %add3A_144 = arith.constant 3 : i32
      %add3A_145 = arith.addi %mul3A_119, %add3A_144 : i32
      %mul3A_146 = arith.constant 80 : i32
      %mul3A_147 = arith.muli %add3A_145, %mul3A_146 : i32
      %dma_start3A_148 = tpu.memref_slice %arg9[%mul3A_147] : memref<10000xi32, #tpu.memory_space<vmem>> -> memref<80xi32, #tpu.memory_space<vmem>>
      %dma_start3A_149 = arith.constant 0 : i32
      %dma_start3A_150 = arith.constant 0 : i32
      %dma_start3A_151 = tpu.memref_slice %arg3[%dma_start3A_149, %dma_start3A_150] : memref<10000x128xf32, #tpu.memory_space<hbm>> -> memref<10000x128xf32, #tpu.memory_space<hbm>>
      tpu.enqueue_indirect_dma source(%dma_start3A_151 : memref<10000x128xf32, #tpu.memory_space<hbm>>) target(%arg6 : memref<80x128xf32, #tpu.memory_space<vmem>>) offsets(%dma_start3A_148 : memref<80xi32, #tpu.memory_space<vmem>>) semaphore(%arg11 : memref<!tpu.dma_semaphore, #tpu.memory_space<semaphore_mem>>)
      %add3A_152 = arith.constant 1 : i32
      %add3A_153 = arith.addi %mul3A_119, %add3A_152 : i32
      %mul3A_154 = arith.constant 80 : i32
      %mul3A_155 = arith.muli %add3A_153, %mul3A_154 : i32
      "tpu.region"() ({
        %run_scoped3A = tpu.sem_alloc : memref<!tpu.dma_semaphore, #tpu.memory_space<semaphore_mem>>
        %dma_start3A_176 = tpu.memref_slice %arg10[%mul3A_155] : memref<10000xi32, #tpu.memory_space<vmem>> -> memref<80xi32, #tpu.memory_space<vmem>>
        %dma_start3A_177 = arith.constant 0 : i32
        %dma_start3A_178 = arith.constant 0 : i32
        %dma_start3A_179 = tpu.memref_slice %arg5[%dma_start3A_177, %dma_start3A_178] : memref<10000x128xf32, #tpu.memory_space<vmem_shared>> -> memref<10000x128xf32, #tpu.memory_space<vmem_shared>>
        tpu.enqueue_indirect_dma source(%arg7 : memref<80x128xf32, #tpu.memory_space<vmem>>) target(%dma_start3A_179 : memref<10000x128xf32, #tpu.memory_space<vmem_shared>>) offsets(%dma_start3A_176 : memref<80xi32, #tpu.memory_space<vmem>>) semaphore(%run_scoped3A : memref<!tpu.dma_semaphore, #tpu.memory_space<semaphore_mem>>) {add = true}
        %dma_wait3A_180 = tpu.memref_slice %arg10[%mul3A_155] : memref<10000xi32, #tpu.memory_space<vmem>> -> memref<80xi32, #tpu.memory_space<vmem>>
        %dma_wait3A_181 = arith.constant 0 : i32
        %dma_wait3A_182 = arith.constant 0 : i32
        %dma_wait3A_183 = tpu.memref_slice %arg5[%dma_wait3A_181, %dma_wait3A_182] : memref<10000x128xf32, #tpu.memory_space<vmem_shared>> -> memref<10000x128xf32, #tpu.memory_space<vmem_shared>>
        tpu.wait_indirect_dma semaphore(%run_scoped3A : memref<!tpu.dma_semaphore, #tpu.memory_space<semaphore_mem>>) src(%arg7 : memref<80x128xf32, #tpu.memory_space<vmem>>) dst(%dma_wait3A_183 : memref<10000x128xf32, #tpu.memory_space<vmem_shared>>)
        tpu.yield
      }) : () -> ()
      %add3A_156 = arith.constant 2 : i32
      %add3A_157 = arith.addi %mul3A_119, %add3A_156 : i32
      %mul3A_158 = arith.constant 80 : i32
      %mul3A_159 = arith.muli %add3A_157, %mul3A_158 : i32
      %dma_wait3A_160 = tpu.memref_slice %arg9[%mul3A_159] : memref<10000xi32, #tpu.memory_space<vmem>> -> memref<80xi32, #tpu.memory_space<vmem>>
      %dma_wait3A_161 = arith.constant 0 : i32
      %dma_wait3A_162 = arith.constant 0 : i32
      %dma_wait3A_163 = tpu.memref_slice %arg3[%dma_wait3A_161, %dma_wait3A_162] : memref<10000x128xf32, #tpu.memory_space<hbm>> -> memref<10000x128xf32, #tpu.memory_space<hbm>>
      tpu.wait_indirect_dma semaphore(%arg13 : memref<!tpu.dma_semaphore, #tpu.memory_space<semaphore_mem>>) src(%dma_wait3A_163 : memref<10000x128xf32, #tpu.memory_space<hbm>>) dst(%arg8 : memref<80x128xf32, #tpu.memory_space<vmem>>)
      %add3A_164 = arith.constant 4 : i32
      %add3A_165 = arith.addi %mul3A_119, %add3A_164 : i32
      %mul3A_166 = arith.constant 80 : i32
      %mul3A_167 = arith.muli %add3A_165, %mul3A_166 : i32
      %dma_start3A_168 = tpu.memref_slice %arg9[%mul3A_167] : memref<10000xi32, #tpu.memory_space<vmem>> -> memref<80xi32, #tpu.memory_space<vmem>>
      %dma_start3A_169 = arith.constant 0 : i32
      %dma_start3A_170 = arith.constant 0 : i32
      %dma_start3A_171 = tpu.memref_slice %arg3[%dma_start3A_169, %dma_start3A_170] : memref<10000x128xf32, #tpu.memory_space<hbm>> -> memref<10000x128xf32, #tpu.memory_space<hbm>>
      tpu.enqueue_indirect_dma source(%dma_start3A_171 : memref<10000x128xf32, #tpu.memory_space<hbm>>) target(%arg7 : memref<80x128xf32, #tpu.memory_space<vmem>>) offsets(%dma_start3A_168 : memref<80xi32, #tpu.memory_space<vmem>>) semaphore(%arg12 : memref<!tpu.dma_semaphore, #tpu.memory_space<semaphore_mem>>)
      %add3A_172 = arith.constant 2 : i32
      %add3A_173 = arith.addi %mul3A_119, %add3A_172 : i32
      %mul3A_174 = arith.constant 80 : i32
      %mul3A_175 = arith.muli %add3A_173, %mul3A_174 : i32
      "tpu.region"() ({
        %run_scoped3A = tpu.sem_alloc : memref<!tpu.dma_semaphore, #tpu.memory_space<semaphore_mem>>
        %dma_start3A_176 = tpu.memref_slice %arg10[%mul3A_175] : memref<10000xi32, #tpu.memory_space<vmem>> -> memref<80xi32, #tpu.memory_space<vmem>>
        %dma_start3A_177 = arith.constant 0 : i32
        %dma_start3A_178 = arith.constant 0 : i32
        %dma_start3A_179 = tpu.memref_slice %arg5[%dma_start3A_177, %dma_start3A_178] : memref<10000x128xf32, #tpu.memory_space<vmem_shared>> -> memref<10000x128xf32, #tpu.memory_space<vmem_shared>>
        tpu.enqueue_indirect_dma source(%arg8 : memref<80x128xf32, #tpu.memory_space<vmem>>) target(%dma_start3A_179 : memref<10000x128xf32, #tpu.memory_space<vmem_shared>>) offsets(%dma_start3A_176 : memref<80xi32, #tpu.memory_space<vmem>>) semaphore(%run_scoped3A : memref<!tpu.dma_semaphore, #tpu.memory_space<semaphore_mem>>) {add = true}
        %dma_wait3A_180 = tpu.memref_slice %arg10[%mul3A_175] : memref<10000xi32, #tpu.memory_space<vmem>> -> memref<80xi32, #tpu.memory_space<vmem>>
        %dma_wait3A_181 = arith.constant 0 : i32
        %dma_wait3A_182 = arith.constant 0 : i32
        %dma_wait3A_183 = tpu.memref_slice %arg5[%dma_wait3A_181, %dma_wait3A_182] : memref<10000x128xf32, #tpu.memory_space<vmem_shared>> -> memref<10000x128xf32, #tpu.memory_space<vmem_shared>>
        tpu.wait_indirect_dma semaphore(%run_scoped3A : memref<!tpu.dma_semaphore, #tpu.memory_space<semaphore_mem>>) src(%arg8 : memref<80x128xf32, #tpu.memory_space<vmem>>) dst(%dma_wait3A_183 : memref<10000x128xf32, #tpu.memory_space<vmem_shared>>)
        tpu.yield
      }) : () -> ()
    }
    %scan3A_65 = arith.constant 41 : i32
    %dma_wait3A_66 = arith.constant 9840 : i32
    %dma_wait3A_67 = tpu.memref_slice %arg9[%dma_wait3A_66] : memref<10000xi32, #tpu.memory_space<vmem>> -> memref<80xi32, #tpu.memory_space<vmem>>
    %dma_wait3A_68 = arith.constant 0 : i32
    %dma_wait3A_69 = arith.constant 0 : i32
    %dma_wait3A_70 = tpu.memref_slice %arg3[%dma_wait3A_68, %dma_wait3A_69] : memref<10000x128xf32, #tpu.memory_space<hbm>> -> memref<10000x128xf32, #tpu.memory_space<hbm>>
    tpu.wait_indirect_dma semaphore(%arg11 : memref<!tpu.dma_semaphore, #tpu.memory_space<semaphore_mem>>) src(%dma_wait3A_70 : memref<10000x128xf32, #tpu.memory_space<hbm>>) dst(%arg6 : memref<80x128xf32, #tpu.memory_space<vmem>>)
    "tpu.region"() ({
      %run_scoped3A = tpu.sem_alloc : memref<!tpu.dma_semaphore, #tpu.memory_space<semaphore_mem>>
      %dma_start3A_113 = arith.constant 9840 : i32
      %dma_start3A_114 = tpu.memref_slice %arg10[%dma_start3A_113] : memref<10000xi32, #tpu.memory_space<vmem>> -> memref<80xi32, #tpu.memory_space<vmem>>
      %dma_start3A_115 = arith.constant 0 : i32
      %dma_start3A_116 = arith.constant 0 : i32
      %dma_start3A_117 = tpu.memref_slice %arg5[%dma_start3A_115, %dma_start3A_116] : memref<10000x128xf32, #tpu.memory_space<vmem_shared>> -> memref<10000x128xf32, #tpu.memory_space<vmem_shared>>
      tpu.enqueue_indirect_dma source(%arg6 : memref<80x128xf32, #tpu.memory_space<vmem>>) target(%dma_start3A_117 : memref<10000x128xf32, #tpu.memory_space<vmem_shared>>) offsets(%dma_start3A_114 : memref<80xi32, #tpu.memory_space<vmem>>) semaphore(%run_scoped3A : memref<!tpu.dma_semaphore, #tpu.memory_space<semaphore_mem>>) {add = true}
      %dma_wait3A_118 = arith.constant 9840 : i32
      %dma_wait3A_119 = tpu.memref_slice %arg10[%dma_wait3A_118] : memref<10000xi32, #tpu.memory_space<vmem>> -> memref<80xi32, #tpu.memory_space<vmem>>
      %dma_wait3A_120 = arith.constant 0 : i32
      %dma_wait3A_121 = arith.constant 0 : i32
      %dma_wait3A_122 = tpu.memref_slice %arg5[%dma_wait3A_120, %dma_wait3A_121] : memref<10000x128xf32, #tpu.memory_space<vmem_shared>> -> memref<10000x128xf32, #tpu.memory_space<vmem_shared>>
      tpu.wait_indirect_dma semaphore(%run_scoped3A : memref<!tpu.dma_semaphore, #tpu.memory_space<semaphore_mem>>) src(%arg6 : memref<80x128xf32, #tpu.memory_space<vmem>>) dst(%dma_wait3A_122 : memref<10000x128xf32, #tpu.memory_space<vmem_shared>>)
      tpu.yield
    }) : () -> ()
    %dma_wait3A_71 = arith.constant 9920 : i32
    %dma_wait3A_72 = tpu.memref_slice %arg9[%dma_wait3A_71] : memref<10000xi32, #tpu.memory_space<vmem>> -> memref<80xi32, #tpu.memory_space<vmem>>
    %dma_wait3A_73 = arith.constant 0 : i32
    %dma_wait3A_74 = arith.constant 0 : i32
    %dma_wait3A_75 = tpu.memref_slice %arg3[%dma_wait3A_73, %dma_wait3A_74] : memref<10000x128xf32, #tpu.memory_space<hbm>> -> memref<10000x128xf32, #tpu.memory_space<hbm>>
    tpu.wait_indirect_dma semaphore(%arg12 : memref<!tpu.dma_semaphore, #tpu.memory_space<semaphore_mem>>) src(%dma_wait3A_75 : memref<10000x128xf32, #tpu.memory_space<hbm>>) dst(%arg7 : memref<80x128xf32, #tpu.memory_space<vmem>>)
    "tpu.region"() ({
      %run_scoped3A = tpu.sem_alloc : memref<!tpu.dma_semaphore, #tpu.memory_space<semaphore_mem>>
      %dma_start3A_113 = arith.constant 9920 : i32
      %dma_start3A_114 = tpu.memref_slice %arg10[%dma_start3A_113] : memref<10000xi32, #tpu.memory_space<vmem>> -> memref<80xi32, #tpu.memory_space<vmem>>
      %dma_start3A_115 = arith.constant 0 : i32
      %dma_start3A_116 = arith.constant 0 : i32
      %dma_start3A_117 = tpu.memref_slice %arg5[%dma_start3A_115, %dma_start3A_116] : memref<10000x128xf32, #tpu.memory_space<vmem_shared>> -> memref<10000x128xf32, #tpu.memory_space<vmem_shared>>
      tpu.enqueue_indirect_dma source(%arg7 : memref<80x128xf32, #tpu.memory_space<vmem>>) target(%dma_start3A_117 : memref<10000x128xf32, #tpu.memory_space<vmem_shared>>) offsets(%dma_start3A_114 : memref<80xi32, #tpu.memory_space<vmem>>) semaphore(%run_scoped3A : memref<!tpu.dma_semaphore, #tpu.memory_space<semaphore_mem>>) {add = true}
      %dma_wait3A_118 = arith.constant 9920 : i32
      %dma_wait3A_119 = tpu.memref_slice %arg10[%dma_wait3A_118] : memref<10000xi32, #tpu.memory_space<vmem>> -> memref<80xi32, #tpu.memory_space<vmem>>
      %dma_wait3A_120 = arith.constant 0 : i32
      %dma_wait3A_121 = arith.constant 0 : i32
      %dma_wait3A_122 = tpu.memref_slice %arg5[%dma_wait3A_120, %dma_wait3A_121] : memref<10000x128xf32, #tpu.memory_space<vmem_shared>> -> memref<10000x128xf32, #tpu.memory_space<vmem_shared>>
      tpu.wait_indirect_dma semaphore(%run_scoped3A : memref<!tpu.dma_semaphore, #tpu.memory_space<semaphore_mem>>) src(%arg7 : memref<80x128xf32, #tpu.memory_space<vmem>>) dst(%dma_wait3A_122 : memref<10000x128xf32, #tpu.memory_space<vmem_shared>>)
      tpu.yield
    }) : () -> ()
    %barrier3A_76 = arith.constant 0 : index
    tpu.barrier barrier_id(%barrier3A_76)
    %sub3A_77 = arith.constant 125 : i32
    %sub3A_78 = arith.subi %sub3A_77, %arg1 : i32
    %sub3A_79 = arith.constant 16 : i32
    %sub3A_80 = arith.constant 1 : i32
    %sub3A_81 = arith.subi %sub3A_79, %sub3A_80 : i32
    %add3A_82 = arith.addi %sub3A_78, %sub3A_81 : i32
    %div3A_83 = arith.constant 16 : i32
    %div3A_84 = arith.divsi %add3A_82, %div3A_83 : i32
    %while3A_85 = arith.constant 16 : i32
    %while3A_86 = arith.constant 0 : i32
    %while3A_87 = arith.subi %div3A_84, %while3A_86 : i32
    %while3A_88 = arith.addi %while3A_86, %while3A_87 : i32
    %while3A_89 = arith.constant 1 : i32
    %while3A_90 = arith.divsi %while3A_87, %while3A_89 : i32
    %while3A_91 = arith.muli %while3A_90, %while3A_89 : i32
    %while3A_92 = arith.addi %while3A_86, %while3A_91 : i32
    %while3A_93 = arith.constant 1 : i32
    scf.for %while3A_113 = %while3A_86 to %while3A_92 step %while3A_93  : i32 {
      %mul3A_114 = arith.muli %while3A_113, %while3A_85 : i32
      %add3A_115 = arith.addi %arg1, %mul3A_114 : i32
      %mul3A_116 = arith.constant 80 : i32
      %mul3A_117 = arith.muli %add3A_115, %mul3A_116 : i32
      %mul3A_118 = arith.constant 80 : i32
      %mul3A_119 = arith.muli %add3A_115, %mul3A_118 : i32
      %dma_start3A_120 = arith.constant 0 : i32
      %dma_start3A_121 = arith.constant 0 : i32
      %dma_start3A_122 = tpu.memref_slice %arg4[%arg0, %dma_start3A_120, %dma_start3A_121] : memref<2x10000x128xf32, #tpu.memory_space<hbm>> -> memref<1x10000x128xf32, #tpu.memory_space<hbm>>
      %dma_start3A_123 = tpu.memref_squeeze %dma_start3A_122 : memref<1x10000x128xf32, #tpu.memory_space<hbm>> -> memref<10000x128xf32, #tpu.memory_space<hbm>>
      %dma_start3A_124 = arith.constant 0 : i32
      %dma_start3A_125 = tpu.memref_slice %dma_start3A_123[%mul3A_119, %dma_start3A_124] : memref<10000x128xf32, #tpu.memory_space<hbm>> -> memref<80x128xf32, #tpu.memory_space<hbm>>
      %dma_start3A_126 = arith.constant 0 : i32
      %dma_start3A_127 = tpu.memref_slice %arg5[%mul3A_117, %dma_start3A_126] : memref<10000x128xf32, #tpu.memory_space<vmem_shared>> -> memref<80x128xf32, #tpu.memory_space<vmem_shared>>
      tpu.enqueue_dma source(%dma_start3A_127 : memref<80x128xf32, #tpu.memory_space<vmem_shared>>) target(%dma_start3A_125 : memref<80x128xf32, #tpu.memory_space<hbm>>) target_semaphore(%arg11 : memref<!tpu.dma_semaphore, #tpu.memory_space<semaphore_mem>>)
    }
    %while3A_94 = arith.constant 1 : i32
    scf.for %while3A_113 = %while3A_92 to %while3A_88 step %while3A_94  : i32 {
      %mul3A_114 = arith.muli %while3A_113, %while3A_85 : i32
      %add3A_115 = arith.addi %arg1, %mul3A_114 : i32
      %mul3A_116 = arith.constant 80 : i32
      %mul3A_117 = arith.muli %add3A_115, %mul3A_116 : i32
      %mul3A_118 = arith.constant 80 : i32
      %mul3A_119 = arith.muli %add3A_115, %mul3A_118 : i32
      %dma_start3A_120 = arith.constant 0 : i32
      %dma_start3A_121 = arith.constant 0 : i32
      %dma_start3A_122 = tpu.memref_slice %arg4[%arg0, %dma_start3A_120, %dma_start3A_121] : memref<2x10000x128xf32, #tpu.memory_space<hbm>> -> memref<1x10000x128xf32, #tpu.memory_space<hbm>>
      %dma_start3A_123 = tpu.memref_squeeze %dma_start3A_122 : memref<1x10000x128xf32, #tpu.memory_space<hbm>> -> memref<10000x128xf32, #tpu.memory_space<hbm>>
      %dma_start3A_124 = arith.constant 0 : i32
      %dma_start3A_125 = tpu.memref_slice %dma_start3A_123[%mul3A_119, %dma_start3A_124] : memref<10000x128xf32, #tpu.memory_space<hbm>> -> memref<80x128xf32, #tpu.memory_space<hbm>>
      %dma_start3A_126 = arith.constant 0 : i32
      %dma_start3A_127 = tpu.memref_slice %arg5[%mul3A_117, %dma_start3A_126] : memref<10000x128xf32, #tpu.memory_space<vmem_shared>> -> memref<80x128xf32, #tpu.memory_space<vmem_shared>>
      tpu.enqueue_dma source(%dma_start3A_127 : memref<80x128xf32, #tpu.memory_space<vmem_shared>>) target(%dma_start3A_125 : memref<80x128xf32, #tpu.memory_space<hbm>>) target_semaphore(%arg11 : memref<!tpu.dma_semaphore, #tpu.memory_space<semaphore_mem>>)
    }
    %sub3A_95 = arith.constant 125 : i32
    %sub3A_96 = arith.subi %sub3A_95, %arg1 : i32
    %sub3A_97 = arith.constant 16 : i32
    %sub3A_98 = arith.constant 1 : i32
    %sub3A_99 = arith.subi %sub3A_97, %sub3A_98 : i32
    %add3A_100 = arith.addi %sub3A_96, %sub3A_99 : i32
    %div3A_101 = arith.constant 16 : i32
    %div3A_102 = arith.divsi %add3A_100, %div3A_101 : i32
    %while3A_103 = arith.constant 16 : i32
    %while3A_104 = arith.constant 0 : i32
    %while3A_105 = arith.subi %div3A_102, %while3A_104 : i32
    %while3A_106 = arith.addi %while3A_104, %while3A_105 : i32
    %while3A_107 = arith.constant 1 : i32
    %while3A_108 = arith.divsi %while3A_105, %while3A_107 : i32
    %while3A_109 = arith.muli %while3A_108, %while3A_107 : i32
    %while3A_110 = arith.addi %while3A_104, %while3A_109 : i32
    %while3A_111 = arith.constant 1 : i32
    scf.for %while3A_113 = %while3A_104 to %while3A_110 step %while3A_111  : i32 {
      %mul3A_114 = arith.muli %while3A_113, %while3A_103 : i32
      %add3A_115 = arith.addi %arg1, %mul3A_114 : i32
      %mul3A_116 = arith.constant 80 : i32
      %mul3A_117 = arith.muli %add3A_115, %mul3A_116 : i32
      %mul3A_118 = arith.constant 80 : i32
      %mul3A_119 = arith.muli %add3A_115, %mul3A_118 : i32
      %dma_wait3A_120 = arith.constant 0 : i32
      %dma_wait3A_121 = arith.constant 0 : i32
      %dma_wait3A_122 = tpu.memref_slice %arg4[%arg0, %dma_wait3A_120, %dma_wait3A_121] : memref<2x10000x128xf32, #tpu.memory_space<hbm>> -> memref<1x10000x128xf32, #tpu.memory_space<hbm>>
      %dma_wait3A_123 = tpu.memref_squeeze %dma_wait3A_122 : memref<1x10000x128xf32, #tpu.memory_space<hbm>> -> memref<10000x128xf32, #tpu.memory_space<hbm>>
      %dma_wait3A_124 = arith.constant 0 : i32
      %dma_wait3A_125 = tpu.memref_slice %dma_wait3A_123[%mul3A_119, %dma_wait3A_124] : memref<10000x128xf32, #tpu.memory_space<hbm>> -> memref<80x128xf32, #tpu.memory_space<hbm>>
      %dma_wait3A_126 = arith.constant 0 : i32
      %dma_wait3A_127 = tpu.memref_slice %arg5[%mul3A_117, %dma_wait3A_126] : memref<10000x128xf32, #tpu.memory_space<vmem_shared>> -> memref<80x128xf32, #tpu.memory_space<vmem_shared>>
      tpu.wait_dma2 semaphore(%arg11 : memref<!tpu.dma_semaphore, #tpu.memory_space<semaphore_mem>>) src(%dma_wait3A_127 : memref<80x128xf32, #tpu.memory_space<vmem_shared>>) dst(%dma_wait3A_125 : memref<80x128xf32, #tpu.memory_space<hbm>>)
    }
    %while3A_112 = arith.constant 1 : i32
    scf.for %while3A_113 = %while3A_110 to %while3A_106 step %while3A_112  : i32 {
      %mul3A_114 = arith.muli %while3A_113, %while3A_103 : i32
      %add3A_115 = arith.addi %arg1, %mul3A_114 : i32
      %mul3A_116 = arith.constant 80 : i32
      %mul3A_117 = arith.muli %add3A_115, %mul3A_116 : i32
      %mul3A_118 = arith.constant 80 : i32
      %mul3A_119 = arith.muli %add3A_115, %mul3A_118 : i32
      %dma_wait3A_120 = arith.constant 0 : i32
      %dma_wait3A_121 = arith.constant 0 : i32
      %dma_wait3A_122 = tpu.memref_slice %arg4[%arg0, %dma_wait3A_120, %dma_wait3A_121] : memref<2x10000x128xf32, #tpu.memory_space<hbm>> -> memref<1x10000x128xf32, #tpu.memory_space<hbm>>
      %dma_wait3A_123 = tpu.memref_squeeze %dma_wait3A_122 : memref<1x10000x128xf32, #tpu.memory_space<hbm>> -> memref<10000x128xf32, #tpu.memory_space<hbm>>
      %dma_wait3A_124 = arith.constant 0 : i32
      %dma_wait3A_125 = tpu.memref_slice %dma_wait3A_123[%mul3A_119, %dma_wait3A_124] : memref<10000x128xf32, #tpu.memory_space<hbm>> -> memref<80x128xf32, #tpu.memory_space<hbm>>
      %dma_wait3A_126 = arith.constant 0 : i32
      %dma_wait3A_127 = tpu.memref_slice %arg5[%mul3A_117, %dma_wait3A_126] : memref<10000x128xf32, #tpu.memory_space<vmem_shared>> -> memref<80x128xf32, #tpu.memory_space<vmem_shared>>
      tpu.wait_dma2 semaphore(%arg11 : memref<!tpu.dma_semaphore, #tpu.memory_space<semaphore_mem>>) src(%dma_wait3A_127 : memref<80x128xf32, #tpu.memory_space<vmem_shared>>) dst(%dma_wait3A_125 : memref<80x128xf32, #tpu.memory_space<hbm>>)
    }
    return
  }
}

module attributes {stable_mosaic.version = 14 : i64} {
  func.func @body(%arg0: i32, %arg1: memref<2x2000x128xf32, #tpu.memory_space<vmem>>, %arg2: memref<2000x128xf32, #tpu.memory_space<vmem>>, %arg3: memref<128x128xf32, #tpu.memory_space<vmem>>, %arg4: memref<1x128xf32, #tpu.memory_space<vmem>>, %arg5: memref<1x128xf32, #tpu.memory_space<vmem>>, %arg6: memref<2000x128xf32, #tpu.memory_space<vmem>>) attributes {dimension_semantics = [#tpu.dimension_semantics<arbitrary>], iteration_bounds = array<i64: 5>, scalar_prefetch = 0 : i64, scratch_operands = 0 : i64, tpu.core_type = #tpu.core_type<tc>, window_params = [{transform_indices = @transform_0, window_bounds = array<i64: 2, 2000, 128>}, {transform_indices = @transform_1, window_bounds = array<i64: 2000, 128>}, {pipeline_mode = #tpu.pipeline_mode<synchronous>, transform_indices = @transform_2, window_bounds = array<i64: 128, 128>}, {pipeline_mode = #tpu.pipeline_mode<synchronous>, transform_indices = @transform_3, window_bounds = array<i64: 1, 128>}, {pipeline_mode = #tpu.pipeline_mode<synchronous>, transform_indices = @transform_4, window_bounds = array<i64: 1, 128>}, {transform_indices = @transform_5, window_bounds = array<i64: 2000, 128>}]} {
    %get3A = arith.constant 0 : index
    %get3A_0 = arith.constant 0 : index
    %get3A_1 = arith.constant 0 : index
    %get3A_2 = vector.load %arg1[%get3A, %get3A_0, %get3A_1] : memref<2x2000x128xf32, #tpu.memory_space<vmem>>, vector<1x2000x128xf32>
    %get3A_3 = vector.shape_cast %get3A_2 : vector<1x2000x128xf32> to vector<2000x128xf32>
    %get3A_4 = arith.constant 1 : index
    %get3A_5 = arith.constant 0 : index
    %get3A_6 = arith.constant 0 : index
    %get3A_7 = vector.load %arg1[%get3A_4, %get3A_5, %get3A_6] : memref<2x2000x128xf32, #tpu.memory_space<vmem>>, vector<1x2000x128xf32>
    %get3A_8 = vector.shape_cast %get3A_7 : vector<1x2000x128xf32> to vector<2000x128xf32>
    %add3A = arith.addf %get3A_3, %get3A_8 : vector<2000x128xf32>
    %get3A_9 = arith.constant 0 : index
    %get3A_10 = arith.constant 0 : index
    %get3A_11 = vector.load %arg3[%get3A_9, %get3A_10] : memref<128x128xf32, #tpu.memory_space<vmem>>, vector<128x128xf32>
    %dot_general3A = arith.constant dense<0.000000e+00> : vector<2000x128xf32>
    %dot_general3A_12 = tpu.matmul %add3A, %get3A_11, %dot_general3A {dimension_numbers = #tpu.dot_dimension_numbers<[1], [1], [0], [0], [0, 0, 1, 0], [], []>, transpose_lhs_hint = false} : vector<2000x128xf32>, vector<128x128xf32>, vector<2000x128xf32> -> vector<2000x128xf32>
    %max3A = arith.constant 0.000000e+00 : f32
    %max3A_13 = vector.broadcast %max3A : f32 to vector<2000x128xf32>
    %max3A_14 = arith.maximumf %dot_general3A_12, %max3A_13 : vector<2000x128xf32>
    %get3A_15 = arith.constant 0 : index
    %get3A_16 = arith.constant 0 : index
    %get3A_17 = vector.load %arg2[%get3A_15, %get3A_16] : memref<2000x128xf32, #tpu.memory_space<vmem>>, vector<2000x128xf32>
    %add3A_18 = arith.addf %max3A_14, %get3A_17 : vector<2000x128xf32>
    %reduce_sum3A = arith.constant dense<0.000000e+00> : vector<2000xf32>
    %reduce_sum3A_19 = vector.multi_reduction <add>, %add3A_18, %reduce_sum3A [1] : vector<2000x128xf32> to vector<2000xf32>
    %broadcast_in_dim3A = vector.shape_cast %reduce_sum3A_19 : vector<2000xf32> to vector<2000x1xf32>
    %div3A = arith.constant 1.280000e+02 : f32
    %div3A_20 = vector.broadcast %div3A : f32 to vector<2000x1xf32>
    %div3A_21 = arith.divf %broadcast_in_dim3A, %div3A_20 : vector<2000x1xf32>
    %sub3A = vector.broadcast %div3A_21 : vector<2000x1xf32> to vector<2000x128xf32>
    %sub3A_22 = arith.subf %add3A_18, %sub3A : vector<2000x128xf32>
    %mul3A = arith.mulf %sub3A_22, %sub3A_22 : vector<2000x128xf32>
    %reduce_sum3A_23 = arith.constant dense<0.000000e+00> : vector<2000xf32>
    %reduce_sum3A_24 = vector.multi_reduction <add>, %mul3A, %reduce_sum3A_23 [1] : vector<2000x128xf32> to vector<2000xf32>
    %broadcast_in_dim3A_25 = vector.shape_cast %reduce_sum3A_24 : vector<2000xf32> to vector<2000x1xf32>
    %div3A_26 = arith.constant 1.280000e+02 : f32
    %div3A_27 = vector.broadcast %div3A_26 : f32 to vector<2000x1xf32>
    %div3A_28 = arith.divf %broadcast_in_dim3A_25, %div3A_27 : vector<2000x1xf32>
    %add3A_29 = arith.constant 9.99999974E-6 : f32
    %add3A_30 = vector.broadcast %add3A_29 : f32 to vector<2000x1xf32>
    %add3A_31 = arith.addf %div3A_28, %add3A_30 : vector<2000x1xf32>
    %rsqrt3A = math.rsqrt %add3A_31 : vector<2000x1xf32>
    %mul3A_32 = vector.broadcast %rsqrt3A : vector<2000x1xf32> to vector<2000x128xf32>
    %mul3A_33 = arith.mulf %sub3A_22, %mul3A_32 : vector<2000x128xf32>
    %get3A_34 = arith.constant 0 : index
    %get3A_35 = arith.constant 0 : index
    %get3A_36 = vector.load %arg4[%get3A_34, %get3A_35] : memref<1x128xf32, #tpu.memory_space<vmem>>, vector<1x128xf32>
    %mul3A_37 = vector.broadcast %get3A_36 : vector<1x128xf32> to vector<2000x128xf32>
    %mul3A_38 = arith.mulf %mul3A_33, %mul3A_37 : vector<2000x128xf32>
    %get3A_39 = arith.constant 0 : index
    %get3A_40 = arith.constant 0 : index
    %get3A_41 = vector.load %arg5[%get3A_39, %get3A_40] : memref<1x128xf32, #tpu.memory_space<vmem>>, vector<1x128xf32>
    %add3A_42 = vector.broadcast %get3A_41 : vector<1x128xf32> to vector<2000x128xf32>
    %add3A_43 = arith.addf %mul3A_38, %add3A_42 : vector<2000x128xf32>
    %swap3A = arith.constant 0 : index
    %swap3A_44 = arith.constant 0 : index
    %swap3A_45 = vector.load %arg6[%swap3A, %swap3A_44] : memref<2000x128xf32, #tpu.memory_space<vmem>>, vector<2000x128xf32>
    tpu.vector_store %arg6[%swap3A, %swap3A_44], %add3A_43 {strides = array<i32>} : memref<2000x128xf32, #tpu.memory_space<vmem>>, vector<2000x128xf32>,
    return
  }
  func.func @transform_0(%arg0: i32) -> (i32, i32, i32) {
    %c0_i32 = arith.constant 0 : i32
    %c0_i32_0 = arith.constant 0 : i32
    %c0_i32_1 = arith.constant 0 : i32
    return %c0_i32, %arg0, %c0_i32_0 : i32, i32, i32
  }
  func.func @transform_1(%arg0: i32) -> (i32, i32) {
    %c0_i32 = arith.constant 0 : i32
    %c0_i32_0 = arith.constant 0 : i32
    return %arg0, %c0_i32 : i32, i32
  }
  func.func @transform_2(%arg0: i32) -> (i32, i32) {
    %c0_i32 = arith.constant 0 : i32
    %c0_i32_0 = arith.constant 0 : i32
    %c0_i32_1 = arith.constant 0 : i32
    return %c0_i32, %c0_i32_0 : i32, i32
  }
  func.func @transform_3(%arg0: i32) -> (i32, i32) {
    %c0_i32 = arith.constant 0 : i32
    %c0_i32_0 = arith.constant 0 : i32
    %c0_i32_1 = arith.constant 0 : i32
    return %c0_i32, %c0_i32_0 : i32, i32
  }
  func.func @transform_4(%arg0: i32) -> (i32, i32) {
    %c0_i32 = arith.constant 0 : i32
    %c0_i32_0 = arith.constant 0 : i32
    %c0_i32_1 = arith.constant 0 : i32
    return %c0_i32, %c0_i32_0 : i32, i32
  }
  func.func @transform_5(%arg0: i32) -> (i32, i32) {
    %c0_i32 = arith.constant 0 : i32
    %c0_i32_0 = arith.constant 0 : i32
    return %arg0, %c0_i32 : i32, i32
  }
}

</mosaic_0001>

<sc_bundles>
// kernel: kernel.4.cloned.1.call-start
scs
__scs_entry_jumppad:
0x0: {  	(pc) =	sbr.rel $0x88, $3  }
0x1: {  	(tag) =	ssettag $0x0;
	lr =	simm.s32 $0x1  }
0x2: {  	[smem:$0x3F9C] =	sst lr;
	_ =	strace $0xD0000000  }
0x3: {  	_ = 	snop  }
0x4: {  	_ = 	snop  }
0x5: {  	_ = 	snop  }
0x6: {  	_ = 	snop  }
0x7: {  	_ = 	snop  }
__scs_overlays_trampoline_lowered:
0x8: {  	[smem:$0x3FAB] =	sst s0  }
0x9: {  	[smem:$0x3FAC] =	sst s1  }
0xa: {  	[smem:$0x3FAD] =	sst s2  }
0xb: {  	[smem:$0x3FAE] =	sst s3  }
0xc: {  	[smem:$0x3FAF] =	sst s4  }
0xd: {  	[smem:$0x3FB0] =	sst s5  }
0xe: {  	[smem:$0x3FB1] =	sst s6  }
0xf: {  	[smem:$0x3FB2] =	sst s7  }
0x10: {  	[smem:$0x3FB3] =	sst s8  }
0x11: {  	[smem:$0x3FB4] =	sst s9;
	s0 =	simm.s32 @!p0 $0x0  }
0x12: {  	s1 =	sld [smem:$0x3F9A];
	s0 =	simm.s32 @p0 $0x1  }
0x13: {  	[smem:$0x3FB5] =	sst s0;
	s0 =	simm.s32 @!p1 $0x0  }
0x14: {  	s2 =	sld [smem:$0x3F99];
	s0 =	simm.s32 @p1 $0x1  }
0x15: {  	[smem:$0x3FB6] =	sst s0;
	s0 =	simm.s32 @!p2 $0x0  }
0x16: {  	s3 =	sld [smem:$0x3FDB];
	s0 =	simm.s32 @p2 $0x1  }
0x17: {  	s4 =	simm.s32 $0x1BF5;
	[smem:$0x3FB8] =	sst s0  }
0x18: {  	s0 =	sld [smem:$0x3F9B];
	_ =	swait.ge [sflag:s4], $0x0  }
0x19: {  	s7 =	sld [smem:$0x3F9C]  }
0x1a: {  	s8 =	sadd.s32 $0xFFFFE003, lr  }
0x1b: {  	s9 =	sadd.s32 $0xFFFFFEF7, lr;
	s5 =	simm.s32 $0xFFFFFFFF;
	p2 =	slt.u32 s8, $0xFFFFF086  }
0x1c: {  	p1 =	slt.u32 s9, $0xF7A;
	s5 =	simm.s32 @!p2 $0x0  }
0x1d: {  	s5 =	simm.s32 @p1 $0x1;
	p0 =	seq.s32 s7, s2  }
0x1e: {  	s7 =	smul.u32 @!p0 $0xF7A, s2;
	p2 =	seq.s32 @!p0 s5, $0x0  }
0x1f: {  	s9 =	smul.u32 $0xF7A, s1;
	s8 =	simm.s32 @!p0 $0x1BF5;
	p2 =	por !p2, p0  }
0x20: {  	[sflag:s8] =	ssyncset.s32 @!p0 $0xFFFFF086;
	s6 =	sadd.s32 @!p0 s3, s7;
	s7 =	simm.s32 @!p0 $0x108  }
0x21: {  	s3 =	sadd.s32 s3, s9;
	s6 =	sadd.s32 @!p0 $0x88, s6;
	s7 =	simm.s32 @p2 $0x1082  }
0x22: {  	[simem:s7], [sflag:s8] =	dma.local @!p0 [hbm:s6], $0xF7A  }
0x23: {  	s9 =	sor.u32 $0xD0000000, s2;
	s6 =	simm.s32 $0x108;
	_ =	swait.ge @!p0 [sflag:s8], $0x0  }
0x24: {  	s3 =	sadd.s32 $0x88, s3;
	s6 =	simm.s32 @!p1 $0x1082;
	[sflag:s4] =	ssyncset.s32 $0xFFFFF086  }
0x25: {  	[simem:s6], [sflag:s4] =	dma.local [hbm:s3], $0xF7A  }
0x26: {  	[smem:$0x3F9C] =	sst s1;
	(tag) =	ssettag s2;
	_ =	strace s9  }
0x27: {  	s1 =	sld [smem:$0x3FAC]  }
0x28: {  	s2 =	sld [smem:$0x3FAD]  }
0x29: {  	s4 =	sld [smem:$0x3FAF]  }
0x2a: {  	p0 =	seq.s32 s5, $0x0;
	s5 =	sld [smem:$0x3FB0]  }
0x2b: {  	s6 =	sld [smem:$0x3FB1]  }
0x2c: {  	s7 =	sld [smem:$0x3FB2]  }
0x2d: {  	s3 =	simm.s32 $0x108;
	s8 =	sld [smem:$0x3FB3]  }
0x2e: {  	s3 =	simm.s32 @!p0 $0x1082;
	s9 =	sld [smem:$0x3FB4]  }
0x2f: {  	lr =	sadd.s32 s0, s3;
	s0 =	sld [smem:$0x3FAB]  }
0x30: {  	s3 =	sld [smem:$0x3FAE]  }
0x31: {  	[smem:$0x3FB7] =	sst s10  }
0x32: {  	s10 =	sld [smem:$0x3FB5];
	_ =	sdelay $0x3  }
0x33: {  	p0 =	seq.s32 s10, $0x1;
	s10 =	sld [smem:$0x3FB7];
	_ =	sdelay $0x3  }
0x34: {  	[smem:$0x3FB7] =	sst s10  }
0x35: {  	s10 =	sld [smem:$0x3FB6];
	_ =	sdelay $0x3  }
0x36: {  	p1 =	seq.s32 s10, $0x1;
	s10 =	sld [smem:$0x3FB7];
	_ =	sdelay $0x3  }
0x37: {  	[smem:$0x3FB7] =	sst s10  }
0x38: {  	s10 =	sld [smem:$0x3FB8]  }
0x39: {  	_ = 	snop;
	(pc) =	sbr.ind lr, $3  }
0x3a: {  	_ = 	snop  }
0x3b: {  	_ = 	snop  }
0x3c: {  	p2 =	seq.s32 s10, $0x1;
	s10 =	sld [smem:$0x3FB7]  }
0x3d: {  	_ =	shalt  }
0x3e: {  	_ =	shalt  }
0x3f: {  	_ =	shalt  }
0x40: {  	_ =	shalt  }
0x41: {  	_ =	shalt  }
0x42: {  	_ =	shalt  }
0x43: {  	_ =	shalt  }
0x44: {  	_ =	shalt  }
0x45: {  	_ =	shalt  }
0x46: {  	_ =	shalt  }
0x47: {  	_ =	shalt  }
0x48: {  	_ =	shalt  }
0x49: {  	_ =	shalt  }
0x4a: {  	_ =	shalt  }
0x4b: {  	_ =	shalt  }
0x4c: {  	_ =	shalt  }
0x4d: {  	_ =	shalt  }
0x4e: {  	_ =	shalt  }
0x4f: {  	_ =	shalt  }
0x50: {  	_ =	shalt  }
0x51: {  	_ =	shalt  }
0x52: {  	_ =	shalt  }
0x53: {  	_ =	shalt  }
0x54: {  	_ =	shalt  }
0x55: {  	_ =	shalt  }
0x56: {  	_ =	shalt  }
0x57: {  	_ =	shalt  }
0x58: {  	_ =	shalt  }
0x59: {  	_ =	shalt  }
0x5a: {  	_ =	shalt  }
0x5b: {  	_ =	shalt  }
0x5c: {  	_ =	shalt  }
0x5d: {  	_ =	shalt  }
0x5e: {  	_ =	shalt  }
0x5f: {  	_ =	shalt  }
0x60: {  	_ =	shalt  }
0x61: {  	_ =	shalt  }
0x62: {  	_ =	shalt  }
0x63: {  	_ =	shalt  }
0x64: {  	_ =	shalt  }
0x65: {  	_ =	shalt  }
0x66: {  	_ =	shalt  }
0x67: {  	_ =	shalt  }
0x68: {  	_ =	shalt  }
0x69: {  	_ =	shalt  }
0x6a: {  	_ =	shalt  }
0x6b: {  	_ =	shalt  }
0x6c: {  	_ =	shalt  }
0x6d: {  	_ =	shalt  }
0x6e: {  	_ =	shalt  }
0x6f: {  	_ =	shalt  }
0x70: {  	_ =	shalt  }
0x71: {  	_ =	shalt  }
0x72: {  	_ =	shalt  }
0x73: {  	_ =	shalt  }
0x74: {  	_ =	shalt  }
0x75: {  	_ =	shalt  }
0x76: {  	_ =	shalt  }
0x77: {  	_ =	shalt  }
0x78: {  	_ =	shalt  }
0x79: {  	_ =	shalt  }
0x7a: {  	_ =	shalt  }
0x7b: {  	_ =	shalt  }
0x7c: {  	_ =	shalt  }
0x7d: {  	_ =	shalt  }
0x7e: {  	_ =	shalt  }
0x7f: {  	_ =	shalt  }
0x80: {  	_ =	shalt  }
0x81: {  	_ =	shalt  }
0x82: {  	_ =	shalt  }
0x83: {  	_ =	shalt  }
0x84: {  	_ =	shalt  }
0x85: {  	_ =	shalt  }
0x86: {  	_ =	shalt  }
0x87: {  	_ =	shalt  }
.Lfunc_end0:
.L_simem_size_0:
called_computation_lowered:
.L_overlay_start_0:
0x88: {  	s2 =	sld [smem:$0x3FD9]  }
0x89: {  	s3 =	sld [smem:$0x3FFE];
	_ =	sdelay $0x1  }
0x8a: {  	s1 =	srdreg.scid  }
0x8b: {  	s0 =	sand.u32 $0x1, s1  }
0x8c: {  	s17 =	sshll.u32 s0, $0xA;
	s2 =	sadd.s32 s3, s2  }
0x8d: {  	s2 =	sadd.s32 s2, s17  }
0x8e: {  	[smem:$0x3FC3] =	sst s2  }
0x8f: {  	_ = 	snop  }
0x90: {  	s2 =	sld [smem:$0x3FC9]  }
0x91: {  	s18 =	sld [smem:$0x3FD0];
	(tm) =	ssettm $0x1  }
0x92: {  	s4 =	sld [smem:$0x3FFB];
	_ =	sdelay $0x3  }
0x93: {  	_ =	strace s4  }
0x94: {  	s4 =	sld [smem:$0x3FFC];
	_ =	sdelay $0x3  }
0x95: {  	_ =	strace s4  }
0x96: {  	s4 =	sld [smem:$0x3FFD];
	_ =	sdelay $0x3  }
0x97: {  	_ =	strace s4  }
0x98: {  	_ =	strace $0x8FFFFFFF  }
0x99: {  	s19 =	sld [smem:$0x3FDB];
	_ =	sdelay $0x1  }
0x9a: {  	s5 =	simm.s32 $_scs_section_size  }
0x9b: {  	s6 =	simm.s32 $_size__tile_overlayer_lowered;
	s7 =	simm.s32 $_tile_overlayer_lowered  }
0x9c: {  	s22 =	simm.s32 $0x1BFF;
	s21 =	sshll.u32 s7, $0x1;
	s4 =	sadd.s32 s5, s19  }
0x9d: {  	s8 =	simm.s32 $0x0;
	s20 =	sshll.u32 s6, $0x1;
	s6 =	sadd.s32 s21, s4  }
0x9e: {  	[timem:s8], [sflag:s22] =	dma.local [hbm:s6], s20  }
0x9f: {  	_ =	swait.ge [sflag:s22], s20  }
0xa0: {  	s5 =	ssub.s32 $0x0, s20;
	[sflag:s22] =	ssyncset.done $0x0  }
0xa1: {  	[sflag:s22] =	ssyncadd.s32 s5;
	_ =	sdelay $0x1  }
0xa2: {  	s23 =	simm.s32 $0x1B8B  }
0xa3: {  	_ =	swait.ge [sflag:s23], $0x1  }
0xa4: {  	[sflag:s23] =	ssyncset.done $0x0  }
0xa5: {  	s25 =	simm.s32 $0x1B8E;
	s24 =	sld [smem:$0x3FFE];
	[sflag:s23] =	ssyncadd.s32 $0xFFFFFFFF  }
0xa6: {  	s26 =	simm.s32 $execute0_lowered;
	[smem:$0x3FD2] =	sst s25  }
0xa7: {  	s6 =	sshll.u32 s26, $0x1;
	_ =	strace $0x80000046;
	[dreg:$0x1] =	wrdreg $0xFFFFFFFF  }
0xa8: {  	s28 =	simm.s32 $_size_execute0_lowered;
	s4 =	sadd.s32 s4, s6;
	[dreg:$0x0] =	wrdreg $0x0  }
0xa9: {  	s6 =	sshll.u32 s28, $0x1;
	[dreg:$0x2] =	wrdreg s4  }
0xaa: {  	[dreg:$0x3] =	wrdreg s6  }
0xab: {  	[dreg:$0x4] =	wrdreg $0xC0  }
0xac: {  	_ =	task [dreg:s8], $0x5FFFF  }
0xad: {  	[dreg:$0x1] =	wrdreg $0xFFFFFFFF  }
0xae: {  	[dreg:$0x0] =	wrdreg $0x60  }
0xaf: {  	[dreg:$0x2] =	wrdreg s18  }
0xb0: {  	[dreg:$0x3] =	wrdreg s2  }
0xb1: {  	[dreg:$0x4] =	wrdreg s24  }
0xb2: {  	[dreg:$0x5] =	wrdreg $0x0  }
0xb3: {  	[dreg:$0x6] =	wrdreg $0x9  }
0xb4: {  	_ =	task.clear_ibuf [dreg:s8], $0x7FFFF;
	_ =	strace $0x90000046  }
0xb5: {  	s29 =	simm.s32 $0x9;
	_ =	strace $0x80000048  }
0xb6: {  	_ =	swait.ge [sflag:s29], $0x1  }
0xb7: {  	[sflag:s29] =	ssyncadd.s32 $0xFFFFFFFF  }
0xb8: {  	_ =	strace $0x90000048  }
0xb9: {  	_ =	sfence  }
0xba: {  	s30 =	sld [smem:$0x0];
	_ =	sdelay $0x2  }
0xbb: {  	s31 =	sshll.u32 s1, $0xD;
	s1 =	sshrl.u32 s1, $0x2  }
0xbc: {  	s3 =	sand.u32 $0x4000, s31;
	s1 =	sadd.s32 s1, s30  }
0xbd: {  	s0 =	sor.u32 s3, s0;
	s1 =	sshll.u32 s1, $0x11  }
0xbe: {  	s0 =	sor.u32 s1, s0  }
0xbf: {  	s0 =	sadd.s32 $0x8F2B, s0  }
0xc0: {  	[sflag:s0] =	ssyncadd.remote.s32 $0x1  }
0xc1: {  	_ =	sfence.sel $0xFFFF  }
0xc2: {  	[dreg:$0x0] =	wrdreg $0xFFFFFFFF;
	(pc) =	sbr.abs _section_cstart, $3  }
0xc3: {  	[dreg:$0x1] =	wrdreg $0xFFFFFFFF  }
0xc4: {  	_ =	task.clear_ibuf [dreg:s8], $0x2FFFF;
	_ =	strace $0x9FFFFFFF  }
0xc5: {  	(tm) =	ssettm $0x7FFFFFFF  }
tec
execute0_lowered:
.L_overlay_start_1:
0x0: {  	(tag) =	ssettag $0x1  }
0x1: {  	s5 =	rddreg [dreg:$0x0]  }
0x2: {  	s1 =	rddreg [dreg:$0x1]  }
0x3: {  	s6 =	rddreg [dreg:$0x2];
	s0 =	srdreg.scid  }
0x4: {  	s3 =	rddreg [dreg:$0x3];
	s2 =	stileid.u32  }
0x5: {  	s4 =	simm.s32 $0x0;
	s11 =	simm.s32 $0x1D800;
	s12 =	simm.s32 $0x13880  }
0x6: {  	s13 =	simm.s32 $0x2;
	s14 =	simm.s32 $0x1;
	s15 =	simm.s32 $0x50  }
0x7: {  	s16 =	simm.s32 $0x1B0D0;
	s17 =	simm.s32 $0x16080;
	s18 =	simm.s32 $0x18880  }
0x8: {  	s19 =	simm.s32 $0x4;
	s20 =	simm.s32 $0x3;
	s21 =	simm.s32 $0x1FE70  }
0x9: {  	s7 =	sand.u32 $0x1, s0;
	s0 =	rddreg [dreg:$0x4];
	s10 =	smul.u32 $0xA000, s2  }
0xa: {  	s22 =	simm.s32 $0x1FEC0;
	[smem:$0x7FF] =	sst s4;
	s24 =	smul.u32 $0x500, s2  }
0xb: {  	s30 =	ssub.s32 $0x8C, s2;
	s8 =	sshll.u32 s7, $0x4;
	s9 =	smul.u32 $0x27100, s7  }
0xc: {  	_ =	strace $0x80000047;
	s26 =	ssub.s32 $0x2, s7;
	s8 =	sor.u32 s2, s8  }
0xd: {  	s7 =	sshrl.u32 s30, $0x4;
	s29 =	sshrl.u32 s26, $0x1;
	s8 =	smul.u32 $0x2710, s8  }
0xe: {  	s31 =	sshrl.u32 s10, $0x2;
	s10 =	simm.s32 $0x1B080;
	s9 =	sadd.s32 s9, s6  }
0xf: {  	s23 =	sadd.s32 $0x1400, s9;
	s9 =	sadd.s32 s31, s3;
	s28 =	sshrl.u32 s8, $0x3  }
0x10: {  	s8 =	ssub.s32 s26, s29;
	s23 =	sadd.s32 s23, s24;
	s5 =	sadd.s32 s5, s28  }
0x11: {  	v0 =	vimm.f32 $0.0e+00;
	s24 =	simm.s32 $0x0;
	s8 =	smax.u32 s8, $0x1;
	s6 =	sadd.s32 $0x9C40, s5  }
.LBB2_1:
0x12: {  	[tilespmem:s10], [sflag:$0x1] =	stream.linear.gather [hbm4b:s5+s4], $0x2710, $0x38;
	[tilespmem:$0x1FF80] =	vst v63  }
0x13: {  	s25 =	simm.s32 $0x70;
	s26 =	simm.s32 $0x3C0  }
0x14: {  	[tilespmem:s11], [sflag:$0x1] =	stream.linear.gather [hbm4b:s6+s4], $0x2710, $0x38;
	[tilespmem:$0x1FF80] =	vst v63  }
.LBB2_2:
0x15: {  	p0 =	sne.s32 s26, $0x9FC0;
	[tilespmem:s25+$0x13880] =	vst v0  }
0x16: {  	[tilespmem:s25+$0x13810] =	vst v0  }
0x17: {  	[tilespmem:s25+$0x13820] =	vst v0  }
.Ltmp0:
0x18: {  	[tilespmem:s25+$0x13830] =	vst v0;
	(pc) =	sbr.rel @p0 .LBB2_2-.Ltmp0, $4  }
0x19: {  	[tilespmem:s25+$0x13840] =	vst v0  }
0x1a: {  	[tilespmem:s25+$0x13850] =	vst v0  }
0x1b: {  	[tilespmem:s25+$0x13860] =	vst v0  }
0x1c: {  	[tilespmem:s25+$0x13870] =	vst v0;
	s25 =	sshra.s32 s26, $0x2;
	s26 =	sadd.s32 $0x200, s26  }
0x1d: {  	[tilespmem:s25+$0x13880] =	vst v0  }
0x1e: {  	[tilespmem:s25+$0x13810] =	vst v0  }
0x1f: {  	[tilespmem:s25+$0x13820] =	vst v0  }
0x20: {  	[tilespmem:s25+$0x13830] =	vst v0;
	p0 =	sne.s32 s7, $0x1  }
.Ltmp1:
0x21: {  	[tilespmem:s25+$0x13840] =	vst v0;
	(pc) =	sbr.rel @!p0 .LBB2_5-.Ltmp1, $4  }
0x22: {  	[tilespmem:s25+$0x13850] =	vst v0  }
0x23: {  	[tilespmem:s25+$0x13860] =	vst v0  }
0x24: {  	[tilespmem:s25+$0x13870] =	vst v0;
	s25 =	sadd.s32 $0xFFFFFFFF, s7;
	s26 =	smov.u32 s9  }
0x25: {  	[spmem:s9] =	stream.linear.scatter [tilespmem:s12], [sflag:$0x2], $0x2800, $0x38;
	[tilespmem:$0x1FF80] =	vst v63  }
.LBB2_4:
0x26: {  	p1 =	sne.s32 s25, $0x1  }
.Ltmp2:
0x27: {  	_ = 	snop;
	(pc) =	sbr.rel @p1 .LBB2_4-.Ltmp2, $3  }
0x28: {  	_ = 	snop  }
0x29: {  	s25 =	sadd.s32 $0xFFFFFFFF, s25;
	s26 =	sadd.s32 $0x28000, s26;
	_ =	sdelay $0x1  }
0x2a: {  	[spmem:s26] =	stream.linear.scatter [tilespmem:s12], [sflag:$0x2], $0x2800, $0x38;
	[tilespmem:$0x1FF80] =	vst v63  }
.LBB2_5:
.Ltmp3:
0x2b: {  	(pc) =	sbr.rel @!p0 .LBB2_7-.Ltmp3, $3  }
0x2c: {  	_ =	sdelay $0x1  }
0x2d: {  	_ =	swait.ge [sflag:s13], $0x2800  }
0x2e: {  	s25 =	sadd.s32 $0xFFFFFFFF, s7;
	[sflag:s13] =	ssyncset.done $0x0  }
.LBB2_6:
0x2f: {  	p1 =	sne.s32 s25, $0x1;
	s25 =	sadd.s32 $0xFFFFFFFF, s25;
	[sflag:s13] =	ssyncadd.s32 $0xFFFFD800  }
.Ltmp4:
0x30: {  	(pc) =	sbr.rel @p1 .LBB2_6-.Ltmp4, $3  }
0x31: {  	_ =	sdelay $0x1  }
0x32: {  	_ =	swait.ge [sflag:s13], $0x2800  }
0x33: {  	[sflag:s13] =	ssyncset.done $0x0  }
.LBB2_7:
0x34: {  	[sflag:s13] =	ssyncadd.s32 $0xFFFFD800  }
0x35: {  	_ =	swait.ge [sflag:s14], $0x2710  }
0x36: {  	[sflag:s14] =	ssyncset.done $0x0  }
0x37: {  	[sflag:s14] =	ssyncadd.s32 $0xFFFFD8F0  }
0x38: {  	_ =	swait.ge [sflag:s14], $0x2710  }
0x39: {  	[sflag:s14] =	ssyncset.done $0x0  }
0x3a: {  	[sflag:s14] =	ssyncadd.s32 $0xFFFFD8F0  }
0x3b: {  	[bflag:$0x0] =	sbarrier.arrive $0xFFFF  }
0x3c: {  	[tilespmem:s12], [sflag:$0x1] =	stream.indirect.gather [hbm4b:s1+s15], $0x80, s10, s15, $0xb8;
	[tilespmem:$0x1FF80] =	vst v63  }
0x3d: {  	_ = 	snop  }
0x3e: {  	[tilespmem:s17], [sflag:$0x2] =	stream.indirect.gather [hbm4b:s1+s15], $0x80, s16, s15, $0xb8;
	[tilespmem:$0x1FF80] =	vst v63  }
0x3f: {  	_ =	swait.ge [sflag:s14], $0x2800  }
0x40: {  	[sflag:s14] =	ssyncset.done $0x0  }
0x41: {  	s25 =	simm.s32 $0x1B120;
	[sflag:s14] =	ssyncadd.s32 $0xFFFFD800  }
0x42: {  	[tilespmem:s18], [sflag:$0x3] =	stream.indirect.gather [hbm4b:s1+s15], $0x80, s25, s15, $0xb8;
	[tilespmem:$0x1FF80] =	vst v63  }
0x43: {  	s26 =	simm.s32 $0x1D800  }
0x44: {  	[spmem:s3] =	stream.indirect.scatter.add.f32 [tilespmem:s12], [sflag:$0x4], $0x80, s26, s15, $0xb8;
	[tilespmem:$0x1FF80] =	vst v63  }
0x45: {  	_ =	swait.ge [sflag:s19], $0x2800  }
0x46: {  	[sflag:s19] =	ssyncset.done $0x0  }
0x47: {  	[sflag:s19] =	ssyncadd.s32 $0xFFFFD800  }
0x48: {  	_ =	swait.ge [sflag:s13], $0x2800  }
0x49: {  	[sflag:s13] =	ssyncset.done $0x0  }
0x4a: {  	s28 =	simm.s32 $0x1B170;
	[sflag:s13] =	ssyncadd.s32 $0xFFFFD800  }
0x4b: {  	[tilespmem:s12], [sflag:$0x1] =	stream.indirect.gather [hbm4b:s1+s15], $0x80, s28, s15, $0xb8;
	[tilespmem:$0x1FF80] =	vst v63  }
0x4c: {  	s29 =	simm.s32 $0x1D850  }
0x4d: {  	[spmem:s3] =	stream.indirect.scatter.add.f32 [tilespmem:s17], [sflag:$0x4], $0x80, s29, s15, $0xb8;
	[tilespmem:$0x1FF80] =	vst v63  }
0x4e: {  	_ =	swait.ge [sflag:s19], $0x2800  }
0x4f: {  	[sflag:s19] =	ssyncset.done $0x0  }
0x50: {  	[sflag:s19] =	ssyncadd.s32 $0xFFFFD800  }
0x51: {  	_ =	swait.ge [sflag:s20], $0x2800  }
0x52: {  	[sflag:s20] =	ssyncset.done $0x0  }
0x53: {  	s30 =	simm.s32 $0x1B1C0;
	[sflag:s20] =	ssyncadd.s32 $0xFFFFD800  }
0x54: {  	[tilespmem:s17], [sflag:$0x2] =	stream.indirect.gather [hbm4b:s1+s15], $0x80, s30, s15, $0xb8;
	[tilespmem:$0x1FF80] =	vst v63  }
0x55: {  	s31 =	simm.s32 $0x1D8A0  }
0x56: {  	[spmem:s3] =	stream.indirect.scatter.add.f32 [tilespmem:s18], [sflag:$0x4], $0x80, s31, s15, $0xb8;
	[tilespmem:$0x1FF80] =	vst v63  }
0x57: {  	_ =	swait.ge [sflag:s19], $0x2800  }
0x58: {  	s25 =	simm.s32 $0x3C0;
	[sflag:s19] =	ssyncset.done $0x0  }
.LBB2_8:
0x59: {  	p1 =	sne.s32 s25, $0x9600  }
0x5a: {  	[sflag:s19] =	ssyncadd.s32 $0xFFFFD800;
	s26 =	smov.u32 s25;
	s25 =	sadd.s32 $0x3C0, s25  }
0x5b: {  	_ = 	snop  }
0x5c: {  	_ =	swait.ge [sflag:s14], $0x2800  }
0x5d: {  	s26 =	sshra.s32 s26, $0x2;
	[sflag:s14] =	ssyncset.done $0x0  }
0x5e: {  	s28 =	sadd.s32 $0x1B120, s26;
	[sflag:s14] =	ssyncadd.s32 $0xFFFFD800  }
0x5f: {  	[tilespmem:s18], [sflag:$0x3] =	stream.indirect.gather [hbm4b:s1+s15], $0x80, s28, s15, $0xb8;
	[tilespmem:$0x1FF80] =	vst v63  }
0x60: {  	s28 =	sadd.s32 $0x1D800, s26  }
0x61: {  	[spmem:s3] =	stream.indirect.scatter.add.f32 [tilespmem:s12], [sflag:$0x4], $0x80, s28, s15, $0xb8;
	[tilespmem:$0x1FF80] =	vst v63  }
0x62: {  	_ =	swait.ge [sflag:s19], $0x2800  }
0x63: {  	[sflag:s19] =	ssyncset.done $0x0  }
0x64: {  	[sflag:s19] =	ssyncadd.s32 $0xFFFFD800  }
0x65: {  	_ =	swait.ge [sflag:s13], $0x2800  }
0x66: {  	[sflag:s13] =	ssyncset.done $0x0  }
0x67: {  	s28 =	sadd.s32 $0x1B170, s26;
	[sflag:s13] =	ssyncadd.s32 $0xFFFFD800  }
0x68: {  	[tilespmem:s12], [sflag:$0x1] =	stream.indirect.gather [hbm4b:s1+s15], $0x80, s28, s15, $0xb8;
	[tilespmem:$0x1FF80] =	vst v63  }
0x69: {  	s28 =	sadd.s32 $0x1D850, s26  }
0x6a: {  	[spmem:s3] =	stream.indirect.scatter.add.f32 [tilespmem:s17], [sflag:$0x4], $0x80, s28, s15, $0xb8;
	[tilespmem:$0x1FF80] =	vst v63  }
0x6b: {  	_ =	swait.ge [sflag:s19], $0x2800  }
0x6c: {  	[sflag:s19] =	ssyncset.done $0x0  }
0x6d: {  	[sflag:s19] =	ssyncadd.s32 $0xFFFFD800  }
0x6e: {  	_ =	swait.ge [sflag:s20], $0x2800  }
0x6f: {  	[sflag:s20] =	ssyncset.done $0x0  }
0x70: {  	s28 =	sadd.s32 $0x1B1C0, s26;
	[sflag:s20] =	ssyncadd.s32 $0xFFFFD800  }
0x71: {  	[tilespmem:s17], [sflag:$0x2] =	stream.indirect.gather [hbm4b:s1+s15], $0x80, s28, s15, $0xb8;
	[tilespmem:$0x1FF80] =	vst v63  }
.Ltmp5:
0x72: {  	_ = 	snop;
	(pc) =	sbr.rel @p1 .LBB2_8-.Ltmp5, $4  }
0x73: {  	s26 =	sadd.s32 $0x1D8A0, s26  }
0x74: {  	[spmem:s3] =	stream.indirect.scatter.add.f32 [tilespmem:s18], [sflag:$0x4], $0x80, s26, s15, $0xb8;
	[tilespmem:$0x1FF80] =	vst v63  }
0x75: {  	_ =	swait.ge [sflag:s19], $0x2800  }
0x76: {  	[sflag:s19] =	ssyncset.done $0x0  }
0x77: {  	[sflag:s19] =	ssyncadd.s32 $0xFFFFD800  }
0x78: {  	_ =	swait.ge [sflag:s14], $0x2800  }
0x79: {  	[sflag:s14] =	ssyncset.done $0x0  }
0x7a: {  	[sflag:s14] =	ssyncadd.s32 $0xFFFFD800  }
0x7b: {  	[spmem:s3] =	stream.indirect.scatter.add.f32 [tilespmem:s12], [sflag:$0x4], $0x80, s21, s15, $0xb8;
	[tilespmem:$0x1FF80] =	vst v63  }
0x7c: {  	_ =	swait.ge [sflag:s19], $0x2800  }
0x7d: {  	[sflag:s19] =	ssyncset.done $0x0  }
0x7e: {  	[sflag:s19] =	ssyncadd.s32 $0xFFFFD800  }
0x7f: {  	_ =	swait.ge [sflag:s13], $0x2800  }
0x80: {  	[sflag:s13] =	ssyncset.done $0x0  }
0x81: {  	[sflag:s13] =	ssyncadd.s32 $0xFFFFD800  }
0x82: {  	[spmem:s3] =	stream.indirect.scatter.add.f32 [tilespmem:s17], [sflag:$0x4], $0x80, s22, s15, $0xb8;
	[tilespmem:$0x1FF80] =	vst v63  }
0x83: {  	_ =	swait.ge [sflag:s19], $0x2800  }
.Ltmp6:
0x84: {  	[sflag:s19] =	ssyncset.done $0x0;
	(pc) =	sbr.rel @!p0 .LBB2_11-.Ltmp6, $4  }
0x85: {  	s25 =	sshll.u32 s2, $0x6;
	[sflag:s19] =	ssyncadd.s32 $0xFFFFD800  }
0x86: {  	s26 =	sshrl.u32 s9, $0x3;
	s25 =	sor.u32 $0x1C01, s25;
	[bflag:$0x0] =	sbarrier.arrive $0xFFFF  }
0x87: {  	[hbm:s23], [sflag:s25] =	dma.local [spmem:s26], $0x500  }
0x88: {  	s28 =	sadd.s32 $0x28000, s9;
	s29 =	smov.u32 s23;
	s26 =	sadd.s32 $0xFFFFFFFF, s7  }
.LBB2_10:
0x89: {  	p1 =	sne.s32 s26, $0x1;
	s26 =	sadd.s32 $0xFFFFFFFF, s26  }
.Ltmp7:
0x8a: {  	s30 =	sshrl.u32 s28, $0x3;
	s29 =	sadd.s32 $0x5000, s29;
	(pc) =	sbr.rel @p1 .LBB2_10-.Ltmp7, $3  }
0x8b: {  	[hbm:s29], [sflag:s25] =	dma.local [spmem:s30], $0x500  }
0x8c: {  	_ =	sdelay $0x1  }
0x8d: {  	s28 =	sadd.s32 $0x28000, s28  }
.LBB2_11:
.Ltmp8:
0x8e: {  	(pc) =	sbr.rel @!p0 .LBB2_13-.Ltmp8, $3  }
0x8f: {  	_ =	sdelay $0x1  }
0x90: {  	_ =	swait.ge [sflag:s14], $0x500  }
0x91: {  	s25 =	sadd.s32 $0xFFFFFFFF, s7;
	[sflag:s14] =	ssyncset.done $0x0  }
.LBB2_12:
0x92: {  	p0 =	sne.s32 s25, $0x1;
	s25 =	sadd.s32 $0xFFFFFFFF, s25;
	[sflag:s14] =	ssyncadd.s32 $0xFFFFFB00  }
.Ltmp9:
0x93: {  	(pc) =	sbr.rel @p0 .LBB2_12-.Ltmp9, $3  }
0x94: {  	_ =	sdelay $0x1  }
0x95: {  	_ =	swait.ge [sflag:s14], $0x500  }
0x96: {  	[sflag:s14] =	ssyncset.done $0x0  }
.LBB2_13:
0x97: {  	s24 =	sadd.s32 $0x1, s24  }
0x98: {  	p0 =	sne.s32 s24, s8  }
.Ltmp10:
0x99: {  	_ = 	snop;
	(pc) =	sbr.rel @p0 .LBB2_1-.Ltmp10, $2  }
0x9a: {  	_ =	sdelay $0x2  }
0x9b: {  	[sflag:s14] =	ssyncadd.s32 $0xFFFFFB00  }
0x9c: {  	_ =	sfence.sel $0x180000  }
0x9d: {  	[bflag:$0x0] =	sbarrier.arrive $0xFFFF  }
0x9e: {  	p0 =	sne.s32 s2, $0x0;
	_ =	strace $0x90000047  }
0x9f: {  	s0 =	sadd.s32 @!p0 $0x100000, s0;
	[bflag:$0x2] =	sbarrier.arrive $0xFFFF  }
0xa0: {  	[sflag:s0] =	ssyncadd.tile.s32 @!p0 $0x1;
	_ =	shalt  }
.Lfunc_end2:
_tile_overlayer_lowered:
.L_overlay_start_2:
0xa1: {  	(tag) =	ssettag $0x2  }
0xa2: {  	s0 =	rddreg [dreg:$0x0];
	s2 =	stileid.u32  }
0xa3: {  	s1 =	rddreg [dreg:$0x1];
	p0 =	sne.s32 s2, $0x0  }
0xa4: {  	s3 =	rddreg [dreg:$0x2];
	[bflag:$0x3] =	sbarrier.arrive $0xFFFF;
	s2 =	simm.s32 @!p0 $0x1C04  }
0xa5: {  	[timem:s3], [sflag:s2] =	dma.local @!p0 [hbm:s0], s1  }
0xa6: {  	s0 =	simm.s32 @!p0 $0x4  }
0xa7: {  	_ =	swait.ge @!p0 [sflag:s0], s1  }
0xa8: {  	s1 =	ssub.s32 @!p0 $0x0, s1;
	[sflag:s0] =	ssyncset.done @!p0 $0x0  }
0xa9: {  	[sflag:s0] =	ssyncadd.s32 @!p0 s1  }
0xaa: {  	[bflag:$0x3] =	sbarrier.arrive $0xFFFF  }
0xab: {  	_ =	shalt  }

</sc_bundles>
